<compile_context>
chip_gen: v7x
topology: tpu7x:2x2x1
jax: 0.10.2.dev20260603
libtpu: 0.0.44.dev20260713+nightly
codegen_flags: <defaults>
</compile_context>

<pallas_src>
import functools

import jax
import jax.numpy as jnp
from jax import lax
from jax.experimental import pallas as pl
from jax.experimental.pallas import tpu as pltpu
from jax.experimental.pallas import tpu_sc as plsc

N = 10000
E = 320000
D = 128

NC = 2
NS = 16
NW = NC * NS

CHUNK = 128
EPW = E // NW
NCHUNK = -(-EPW // CHUNK)
EPW_PAD = NCHUNK * CHUNK
RPT = 8 * -(-(N + 1) // (8 * NS))
N_PAD = RPT * NS

BM = 1000
NB = N // BM

@functools.cache
def _mesh():
    return plsc.VectorSubcoreMesh(core_axis_name="c", subcore_axis_name="s",
                                  num_cores=NC, num_subcores=NS)



def _sc_degree(dstp, ones, zeros):

    @functools.partial(
        pl.kernel,
        out_type=jax.ShapeDtypeStruct((NC, N_PAD, D), jnp.float32),
        mesh=_mesh(),
        scratch_types=[
            pltpu.VMEM((NCHUNK, CHUNK), jnp.int32),
            pltpu.VMEM((CHUNK, D), jnp.float32),
            pltpu.VMEM_SHARED((N_PAD, D), jnp.float32),
        ],
    )
    def k(dst_hbm, ones_hbm, z_hbm, out_hbm, dst_v, ones_v, acc_sh):
        c = lax.axis_index("c")
        s = lax.axis_index("s")
        wid = s * NC + c
        pltpu.sync_copy(dst_hbm.at[wid], dst_v)
        pltpu.sync_copy(ones_hbm, ones_v)
        rows = pl.ds(s * RPT, RPT)
        pltpu.sync_copy(z_hbm.at[rows], acc_sh.at[rows])
        plsc.subcore_barrier()

        @pl.loop(0, NCHUNK)
        def _(j):
            pltpu.sync_copy(ones_v, acc_sh.at[dst_v.at[j]], add=True)

        plsc.subcore_barrier()
        pltpu.sync_copy(acc_sh.at[rows], out_hbm.at[c, rows])

    return k(dstp, ones, zeros)


def _sc_aggregate(g, srcp, dstp, zeros):

    @functools.partial(
        pl.kernel,
        out_type=jax.ShapeDtypeStruct((NC, N_PAD, D), jnp.float32),
        mesh=_mesh(),
        scratch_types=[
            pltpu.VMEM((NCHUNK, CHUNK), jnp.int32),
            pltpu.VMEM((NCHUNK, CHUNK), jnp.int32),
            pltpu.VMEM((CHUNK, D), jnp.float32),
            pltpu.VMEM_SHARED((N_PAD, D), jnp.float32),
        ],
    )
    def k(g_hbm, src_hbm, dst_hbm, z_hbm, out_hbm, src_v, dst_v, rows_v, acc_sh):
        c = lax.axis_index("c")
        s = lax.axis_index("s")
        wid = s * NC + c
        rows = pl.ds(s * RPT, RPT)
        pltpu.sync_copy(z_hbm.at[rows], acc_sh.at[rows])
        pltpu.sync_copy(src_hbm.at[wid], src_v)
        pltpu.sync_copy(dst_hbm.at[wid], dst_v)
        plsc.subcore_barrier()

        @pl.loop(0, NCHUNK)
        def _(j):
            pltpu.sync_copy(g_hbm.at[src_v.at[j]], rows_v)
            pltpu.sync_copy(rows_v, acc_sh.at[dst_v.at[j]], add=True)

        plsc.subcore_barrier()
        pltpu.sync_copy(acc_sh.at[rows], out_hbm.at[c, rows])

    return k(g, srcp, dstp, zeros)



def _mm_body(x_ref, w_ref, o_ref):
    o_ref[...] = jnp.dot(x_ref[...], w_ref[...], preferred_element_type=jnp.float32)


def _mm(x, w):
    return pl.pallas_call(
        _mm_body,
        grid=(NB,),
        in_specs=[
            pl.BlockSpec((BM, D), lambda i: (i, 0)),
            pl.BlockSpec((D, D), lambda i: (0, 0)),
        ],
        out_specs=pl.BlockSpec((BM, D), lambda i: (i, 0)),
        out_shape=jax.ShapeDtypeStruct((N, D), jnp.float32),
    )(x, w)


def _dis_block(degp_ref):
    deg = 1.0 + degp_ref[0, :, 0:1]
    for i in range(1, NC):
        deg = deg + degp_ref[i, :, 0:1]
    return lax.rsqrt(deg)


def _scale_body(h_ref, degp_ref, o_ref):
    o_ref[...] = h_ref[...] * _dis_block(degp_ref)


def _scale(h, degp):
    return pl.pallas_call(
        _scale_body,
        grid=(NB,),
        in_specs=[
            pl.BlockSpec((BM, D), lambda i: (i, 0)),
            pl.BlockSpec((NC, BM, D), lambda i: (0, i, 0)),
        ],
        out_specs=pl.BlockSpec((BM, D), lambda i: (i, 0)),
        out_shape=jax.ShapeDtypeStruct((N, D), jnp.float32),
    )(h, degp)


def _out1_block(p_ref, g1_ref, degp_ref, b1_ref):
    agg = p_ref[0] + g1_ref[...]
    for i in range(1, NC):
        agg = agg + p_ref[i]
    return agg * _dis_block(degp_ref) + b1_ref[...]


def _stats_body(p_ref, g1_ref, degp_ref, b1_ref, o_ref):
    i = pl.program_id(0)
    out1 = _out1_block(p_ref, g1_ref, degp_ref, b1_ref)

    @pl.when(i == 0)
    def _():
        o_ref[...] = jnp.zeros_like(o_ref)

    o_ref[0:1, :] += jnp.sum(out1, axis=0, keepdims=True)
    o_ref[1:2, :] += jnp.sum(out1 * out1, axis=0, keepdims=True)


def _stats(p, g1, degp, b1):
    return pl.pallas_call(
        _stats_body,
        grid=(NB,),
        in_specs=[
            pl.BlockSpec((NC, BM, D), lambda i: (0, i, 0)),
            pl.BlockSpec((BM, D), lambda i: (i, 0)),
            pl.BlockSpec((NC, BM, D), lambda i: (0, i, 0)),
            pl.BlockSpec((1, D), lambda i: (0, 0)),
        ],
        out_specs=pl.BlockSpec((8, D), lambda i: (0, 0)),
        out_shape=jax.ShapeDtypeStruct((8, D), jnp.float32),
    )(p, g1, degp, b1)


def _apply_body(p_ref, g1_ref, degp_ref, b1_ref, gm_ref, bt_ref, w2_ref, st_ref, o_ref):
    out1 = _out1_block(p_ref, g1_ref, degp_ref, b1_ref)
    mean = st_ref[0:1, :] * (1.0 / N)
    var = st_ref[1:2, :] * (1.0 / N) - mean * mean
    h = (out1 - mean) * lax.rsqrt(var + 1e-5) * gm_ref[...] + bt_ref[...]
    h = jnp.maximum(h, 0.0)
    o_ref[...] = jnp.dot(h, w2_ref[...], preferred_element_type=jnp.float32) * _dis_block(degp_ref)


def _apply(p, g1, degp, b1, gamma, beta, w2, st):
    return pl.pallas_call(
        _apply_body,
        grid=(NB,),
        in_specs=[
            pl.BlockSpec((NC, BM, D), lambda i: (0, i, 0)),
            pl.BlockSpec((BM, D), lambda i: (i, 0)),
            pl.BlockSpec((NC, BM, D), lambda i: (0, i, 0)),
            pl.BlockSpec((1, D), lambda i: (0, 0)),
            pl.BlockSpec((1, D), lambda i: (0, 0)),
            pl.BlockSpec((1, D), lambda i: (0, 0)),
            pl.BlockSpec((D, D), lambda i: (0, 0)),
            pl.BlockSpec((8, D), lambda i: (0, 0)),
        ],
        out_specs=pl.BlockSpec((BM, D), lambda i: (i, 0)),
        out_shape=jax.ShapeDtypeStruct((N, D), jnp.float32),
    )(p, g1, degp, b1, gamma, beta, w2, st)


def _final_body(q_ref, g2_ref, degp_ref, b2_ref, wt_ref, lb_ref, o_ref):
    out2 = _out1_block(q_ref, g2_ref, degp_ref, b2_ref)
    z = jnp.dot(out2, wt_ref[...], preferred_element_type=jnp.float32) + lb_ref[...]
    m = jnp.max(z, axis=1, keepdims=True)
    zs = z - m
    lse = jnp.log(jnp.sum(jnp.exp(zs), axis=1, keepdims=True))
    o_ref[...] = zs - lse


def _final(q, g2, degp, b2, linWT, linb):
    return pl.pallas_call(
        _final_body,
        grid=(NB,),
        in_specs=[
            pl.BlockSpec((NC, BM, D), lambda i: (0, i, 0)),
            pl.BlockSpec((BM, D), lambda i: (i, 0)),
            pl.BlockSpec((NC, BM, D), lambda i: (0, i, 0)),
            pl.BlockSpec((1, D), lambda i: (0, 0)),
            pl.BlockSpec((D, D), lambda i: (0, 0)),
            pl.BlockSpec((1, D), lambda i: (0, 0)),
        ],
        out_specs=pl.BlockSpec((BM, D), lambda i: (i, 0)),
        out_shape=jax.ShapeDtypeStruct((N, D), jnp.float32),
    )(q, g2, degp, b2, linWT, linb)



def kernel(x, edge_index, W1, b1, gamma, beta, W2, b2, linW, linb):
    src = edge_index[0]
    dst = edge_index[1]
    pad = NW * EPW_PAD - E
    srcp = jnp.concatenate([src, jnp.zeros((pad,), src.dtype)]).reshape(NW, NCHUNK, CHUNK)
    dstp = jnp.concatenate([dst, jnp.full((pad,), N, dst.dtype)]).reshape(NW, NCHUNK, CHUNK)

    zeros = jnp.zeros((N_PAD, D), jnp.float32)
    ones = jnp.ones((CHUNK, D), jnp.float32)

    degp = _sc_degree(dstp, ones, zeros)
    h1 = _mm(x, W1)
    g1 = _scale(h1, degp)
    p = _sc_aggregate(g1, srcp, dstp, zeros)
    b1r = b1.reshape(1, D)
    st = _stats(p, g1, degp, b1r)
    g2 = _apply(p, g1, degp, b1r, gamma.reshape(1, D), beta.reshape(1, D), W2, st)
    q = _sc_aggregate(g2, srcp, dstp, zeros)
    return _final(q, g2, degp, b2.reshape(1, D), linW.T, linb.reshape(1, D))

# --- scband reference (transcript-rebuilt; emitter-appended) ---
"""Pipeline reference for scband-simple-gcn-15642270892451 (READ-ONLY COPY).

The authoritative reference and input builder live on the scoring server;
editing this copy changes nothing except your own understanding.
"""

import jax, jax.numpy as jnp
import numpy as np

N = 10000
E = 320000
D_IN = 128
D_HID = 128
D_OUT = 128


def setup_inputs(seed: int = 0) -> dict:
    key = jax.random.key(seed)
    ks = jax.random.split(key, 8)
    x = jax.random.normal(ks[0], (N, D_IN), dtype=jnp.float32)
    edge_index = jax.random.randint(ks[1], (2, E), 0, N, dtype=jnp.int32)
    s1 = 1.0 / np.sqrt(D_IN)
    s2 = 1.0 / np.sqrt(D_HID)
    s3 = 1.0 / np.sqrt(D_OUT)
    W1 = jax.random.uniform(ks[2], (D_IN, D_HID), jnp.float32, -s1, s1)
    b1 = jnp.zeros((D_HID,), jnp.float32)
    gamma = jnp.ones((D_HID,), jnp.float32)
    beta = jnp.zeros((D_HID,), jnp.float32)
    W2 = jax.random.uniform(ks[3], (D_HID, D_OUT), jnp.float32, -s2, s2)
    b2 = jnp.zeros((D_OUT,), jnp.float32)
    linW = jax.random.uniform(ks[4], (D_OUT, D_OUT), jnp.float32, -s3, s3)
    linb = jax.random.uniform(ks[5], (D_OUT,), jnp.float32, -s3, s3)
    return {"x": x, "edge_index": edge_index, "W1": W1, "b1": b1,
            "gamma": gamma, "beta": beta, "W2": W2, "b2": b2,
            "linW": linW, "linb": linb}


def gcn_conv(x, edge_index, W, b):
    # PyG GCNConv: linear transform, add self-loops, sym-normalized scatter-add aggregation
    num_nodes = x.shape[0]
    loop = jnp.arange(num_nodes, dtype=edge_index.dtype)
    src = jnp.concatenate([edge_index[0], loop])
    dst = jnp.concatenate([edge_index[1], loop])
    deg = jnp.zeros((num_nodes,), jnp.float32).at[dst].add(1.0)
    dis = jnp.where(deg > 0, jax.lax.rsqrt(jnp.maximum(deg, 1e-12)), 0.0)
    norm = dis[src] * dis[dst]
    h = x @ W
    msg = h[src] * norm[:, None]
    out = jnp.zeros((num_nodes, h.shape[1]), h.dtype).at[dst].add(msg)
    return out + b


def batchnorm1d(x, gamma, beta, eps=1e-5):
    # training-mode BatchNorm1d (batch statistics, biased variance) for determinism
    mean = jnp.mean(x, axis=0)
    var = jnp.var(x, axis=0)
    return (x - mean) * jax.lax.rsqrt(var + eps) * gamma + beta


def reference(x, edge_index, W1, b1, gamma, beta, W2, b2, linW, linb):
    h = gcn_conv(x, edge_index, W1, b1)
    h = batchnorm1d(h, gamma, beta)
    h = jax.nn.relu(h)
    # dropout is identity in eval mode
    h = gcn_conv(h, edge_index, W2, b2)
    h = h @ linW.T + linb
    return jax.nn.log_softmax(h, axis=1)

if __name__ == "__main__":
    import jax
    _d = setup_inputs()
    print(jax.jit(kernel)(*tuple(_d.values())))

</pallas_src>

<mosaic_0001>
#map = affine_map<(d0, d1) -> (0, 0)>
#map1 = affine_map<(d0, d1) -> (0, 0, 0)>
module attributes {stable_mosaic.version = 14 : i64} {
  func.func @k(%arg0: i32, %arg1: i32, %arg2: memref<10000x128xf32, #tpu.memory_space<hbm>>, %arg3: memref<32x79x128xi32, #tpu.memory_space<hbm>>, %arg4: memref<32x79x128xi32, #tpu.memory_space<hbm>>, %arg5: memref<10112x128xf32, #tpu.memory_space<hbm>>, %arg6: memref<2x10112x128xf32, #tpu.memory_space<hbm>>, %arg7: memref<79x128xi32, #tpu.memory_space<vmem>>, %arg8: memref<79x128xi32, #tpu.memory_space<vmem>>, %arg9: memref<128x128xf32, #tpu.memory_space<vmem>>, %arg10: memref<10112x128xf32, #tpu.memory_space<vmem_shared>>) attributes {dimension_semantics = [#tpu.dimension_semantics<core_parallel>, #tpu.dimension_semantics<subcore_parallel>], iteration_bounds = array<i64: 2, 16>, scalar_prefetch = 0 : i64, scratch_operands = 4 : i64, tpu.core_type = #tpu.core_type<sc_vector_subcore>, window_params = [{transform_indices = #map}, {transform_indices = #map1}, {transform_indices = #map1}, {transform_indices = #map}, {transform_indices = #map1}]} {
    %mul3A = arith.constant 2 : i32
    %mul3A_0 = arith.muli %arg1, %mul3A : i32
    %add3A = arith.addi %mul3A_0, %arg0 : i32
    %mul3A_1 = arith.constant 632 : i32
    %mul3A_2 = arith.muli %arg1, %mul3A_1 : i32
    "tpu.region"() ({
      %run_scoped3A = tpu.sem_alloc : memref<!tpu.dma_semaphore, #tpu.memory_space<semaphore_mem>>
      %dma_start3A = arith.constant 0 : i32
      %dma_start3A_8 = tpu.memref_slice %arg10[%mul3A_2, %dma_start3A] : memref<10112x128xf32, #tpu.memory_space<vmem_shared>> -> memref<632x128xf32, #tpu.memory_space<vmem_shared>>
      %dma_start3A_9 = arith.constant 0 : i32
      %dma_start3A_10 = tpu.memref_slice %arg5[%mul3A_2, %dma_start3A_9] : memref<10112x128xf32, #tpu.memory_space<hbm>> -> memref<632x128xf32, #tpu.memory_space<hbm>>
      tpu.enqueue_dma source(%dma_start3A_10 : memref<632x128xf32, #tpu.memory_space<hbm>>) target(%dma_start3A_8 : memref<632x128xf32, #tpu.memory_space<vmem_shared>>) target_semaphore(%run_scoped3A : memref<!tpu.dma_semaphore, #tpu.memory_space<semaphore_mem>>)
      %dma_wait3A = arith.constant 0 : i32
      %dma_wait3A_11 = tpu.memref_slice %arg10[%mul3A_2, %dma_wait3A] : memref<10112x128xf32, #tpu.memory_space<vmem_shared>> -> memref<632x128xf32, #tpu.memory_space<vmem_shared>>
      %dma_wait3A_12 = arith.constant 0 : i32
      %dma_wait3A_13 = tpu.memref_slice %arg5[%mul3A_2, %dma_wait3A_12] : memref<10112x128xf32, #tpu.memory_space<hbm>> -> memref<632x128xf32, #tpu.memory_space<hbm>>
      tpu.wait_dma2 semaphore(%run_scoped3A : memref<!tpu.dma_semaphore, #tpu.memory_space<semaphore_mem>>) src(%dma_wait3A_13 : memref<632x128xf32, #tpu.memory_space<hbm>>) dst(%dma_wait3A_11 : memref<632x128xf32, #tpu.memory_space<vmem_shared>>)
      tpu.yield
    }) : () -> ()
    "tpu.region"() ({
      %run_scoped3A = tpu.sem_alloc : memref<!tpu.dma_semaphore, #tpu.memory_space<semaphore_mem>>
      %dma_start3A = arith.constant 0 : i32
      %dma_start3A_8 = arith.constant 0 : i32
      %dma_start3A_9 = tpu.memref_slice %arg3[%add3A, %dma_start3A, %dma_start3A_8] : memref<32x79x128xi32, #tpu.memory_space<hbm>> -> memref<1x79x128xi32, #tpu.memory_space<hbm>>
      %dma_start3A_10 = tpu.memref_squeeze %dma_start3A_9 : memref<1x79x128xi32, #tpu.memory_space<hbm>> -> memref<79x128xi32, #tpu.memory_space<hbm>>
      %dma_start3A_11 = arith.constant 0 : i32
      %dma_start3A_12 = arith.constant 0 : i32
      %dma_start3A_13 = tpu.memref_slice %arg3[%add3A, %dma_start3A_11, %dma_start3A_12] : memref<32x79x128xi32, #tpu.memory_space<hbm>> -> memref<1x79x128xi32, #tpu.memory_space<hbm>>
      %dma_start3A_14 = tpu.memref_squeeze %dma_start3A_13 : memref<1x79x128xi32, #tpu.memory_space<hbm>> -> memref<79x128xi32, #tpu.memory_space<hbm>>
      tpu.enqueue_dma source(%dma_start3A_14 : memref<79x128xi32, #tpu.memory_space<hbm>>) target(%arg7 : memref<79x128xi32, #tpu.memory_space<vmem>>) target_semaphore(%run_scoped3A : memref<!tpu.dma_semaphore, #tpu.memory_space<semaphore_mem>>)
      %dma_wait3A = arith.constant 0 : i32
      %dma_wait3A_15 = arith.constant 0 : i32
      %dma_wait3A_16 = tpu.memref_slice %arg3[%add3A, %dma_wait3A, %dma_wait3A_15] : memref<32x79x128xi32, #tpu.memory_space<hbm>> -> memref<1x79x128xi32, #tpu.memory_space<hbm>>
      %dma_wait3A_17 = tpu.memref_squeeze %dma_wait3A_16 : memref<1x79x128xi32, #tpu.memory_space<hbm>> -> memref<79x128xi32, #tpu.memory_space<hbm>>
      %dma_wait3A_18 = arith.constant 0 : i32
      %dma_wait3A_19 = arith.constant 0 : i32
      %dma_wait3A_20 = tpu.memref_slice %arg3[%add3A, %dma_wait3A_18, %dma_wait3A_19] : memref<32x79x128xi32, #tpu.memory_space<hbm>> -> memref<1x79x128xi32, #tpu.memory_space<hbm>>
      %dma_wait3A_21 = tpu.memref_squeeze %dma_wait3A_20 : memref<1x79x128xi32, #tpu.memory_space<hbm>> -> memref<79x128xi32, #tpu.memory_space<hbm>>
      tpu.wait_dma2 semaphore(%run_scoped3A : memref<!tpu.dma_semaphore, #tpu.memory_space<semaphore_mem>>) src(%dma_wait3A_21 : memref<79x128xi32, #tpu.memory_space<hbm>>) dst(%arg7 : memref<79x128xi32, #tpu.memory_space<vmem>>)
      tpu.yield
    }) : () -> ()
    "tpu.region"() ({
      %run_scoped3A = tpu.sem_alloc : memref<!tpu.dma_semaphore, #tpu.memory_space<semaphore_mem>>
      %dma_start3A = arith.constant 0 : i32
      %dma_start3A_8 = arith.constant 0 : i32
      %dma_start3A_9 = tpu.memref_slice %arg4[%add3A, %dma_start3A, %dma_start3A_8] : memref<32x79x128xi32, #tpu.memory_space<hbm>> -> memref<1x79x128xi32, #tpu.memory_space<hbm>>
      %dma_start3A_10 = tpu.memref_squeeze %dma_start3A_9 : memref<1x79x128xi32, #tpu.memory_space<hbm>> -> memref<79x128xi32, #tpu.memory_space<hbm>>
      %dma_start3A_11 = arith.constant 0 : i32
      %dma_start3A_12 = arith.constant 0 : i32
      %dma_start3A_13 = tpu.memref_slice %arg4[%add3A, %dma_start3A_11, %dma_start3A_12] : memref<32x79x128xi32, #tpu.memory_space<hbm>> -> memref<1x79x128xi32, #tpu.memory_space<hbm>>
      %dma_start3A_14 = tpu.memref_squeeze %dma_start3A_13 : memref<1x79x128xi32, #tpu.memory_space<hbm>> -> memref<79x128xi32, #tpu.memory_space<hbm>>
      tpu.enqueue_dma source(%dma_start3A_14 : memref<79x128xi32, #tpu.memory_space<hbm>>) target(%arg8 : memref<79x128xi32, #tpu.memory_space<vmem>>) target_semaphore(%run_scoped3A : memref<!tpu.dma_semaphore, #tpu.memory_space<semaphore_mem>>)
      %dma_wait3A = arith.constant 0 : i32
      %dma_wait3A_15 = arith.constant 0 : i32
      %dma_wait3A_16 = tpu.memref_slice %arg4[%add3A, %dma_wait3A, %dma_wait3A_15] : memref<32x79x128xi32, #tpu.memory_space<hbm>> -> memref<1x79x128xi32, #tpu.memory_space<hbm>>
      %dma_wait3A_17 = tpu.memref_squeeze %dma_wait3A_16 : memref<1x79x128xi32, #tpu.memory_space<hbm>> -> memref<79x128xi32, #tpu.memory_space<hbm>>
      %dma_wait3A_18 = arith.constant 0 : i32
      %dma_wait3A_19 = arith.constant 0 : i32
      %dma_wait3A_20 = tpu.memref_slice %arg4[%add3A, %dma_wait3A_18, %dma_wait3A_19] : memref<32x79x128xi32, #tpu.memory_space<hbm>> -> memref<1x79x128xi32, #tpu.memory_space<hbm>>
      %dma_wait3A_21 = tpu.memref_squeeze %dma_wait3A_20 : memref<1x79x128xi32, #tpu.memory_space<hbm>> -> memref<79x128xi32, #tpu.memory_space<hbm>>
      tpu.wait_dma2 semaphore(%run_scoped3A : memref<!tpu.dma_semaphore, #tpu.memory_space<semaphore_mem>>) src(%dma_wait3A_21 : memref<79x128xi32, #tpu.memory_space<hbm>>) dst(%arg8 : memref<79x128xi32, #tpu.memory_space<vmem>>)
      tpu.yield
    }) : () -> ()
    %barrier3A = arith.constant 0 : index
    tpu.barrier barrier_id(%barrier3A)
    %scan3A = arith.constant 0 : i32
    %scan3A_3 = arith.constant 79 : i32
    %scan3A_4 = arith.addi %scan3A, %scan3A_3 : i32
    %scan3A_5 = arith.constant 1 : i32
    scf.for %scan3A_8 = %scan3A to %scan3A_4 step %scan3A_5  : i32 {
      %mul3A_9 = arith.constant 1 : i32
      %mul3A_10 = arith.muli %scan3A_8, %mul3A_9 : i32
      %add3A_11 = arith.constant 0 : i32
      %add3A_12 = arith.addi %add3A_11, %mul3A_10 : i32
      "tpu.region"() ({
        %run_scoped3A = tpu.sem_alloc : memref<!tpu.dma_semaphore, #tpu.memory_space<semaphore_mem>>
        %dma_start3A = arith.constant 0 : i32
        %dma_start3A_13 = tpu.memref_slice %arg7[%add3A_12, %dma_start3A] : memref<79x128xi32, #tpu.memory_space<vmem>> -> memref<1x128xi32, #tpu.memory_space<vmem>>
        %dma_start3A_14 = tpu.memref_squeeze %dma_start3A_13 : memref<1x128xi32, #tpu.memory_space<vmem>> -> memref<128xi32, #tpu.memory_space<vmem>>
        %dma_start3A_15 = arith.constant 0 : i32
        %dma_start3A_16 = arith.constant 0 : i32
        %dma_start3A_17 = tpu.memref_slice %arg2[%dma_start3A_15, %dma_start3A_16] : memref<10000x128xf32, #tpu.memory_space<hbm>> -> memref<10000x128xf32, #tpu.memory_space<hbm>>
        tpu.enqueue_indirect_dma source(%dma_start3A_17 : memref<10000x128xf32, #tpu.memory_space<hbm>>) target(%arg9 : memref<128x128xf32, #tpu.memory_space<vmem>>) offsets(%dma_start3A_14 : memref<128xi32, #tpu.memory_space<vmem>>) semaphore(%run_scoped3A : memref<!tpu.dma_semaphore, #tpu.memory_space<semaphore_mem>>)
        %dma_wait3A = arith.constant 0 : i32
        %dma_wait3A_18 = tpu.memref_slice %arg7[%add3A_12, %dma_wait3A] : memref<79x128xi32, #tpu.memory_space<vmem>> -> memref<1x128xi32, #tpu.memory_space<vmem>>
        %dma_wait3A_19 = tpu.memref_squeeze %dma_wait3A_18 : memref<1x128xi32, #tpu.memory_space<vmem>> -> memref<128xi32, #tpu.memory_space<vmem>>
        %dma_wait3A_20 = arith.constant 0 : i32
        %dma_wait3A_21 = arith.constant 0 : i32
        %dma_wait3A_22 = tpu.memref_slice %arg2[%dma_wait3A_20, %dma_wait3A_21] : memref<10000x128xf32, #tpu.memory_space<hbm>> -> memref<10000x128xf32, #tpu.memory_space<hbm>>
        tpu.wait_indirect_dma semaphore(%run_scoped3A : memref<!tpu.dma_semaphore, #tpu.memory_space<semaphore_mem>>) src(%dma_wait3A_22 : memref<10000x128xf32, #tpu.memory_space<hbm>>) dst(%arg9 : memref<128x128xf32, #tpu.memory_space<vmem>>)
        tpu.yield
      }) : () -> ()
      "tpu.region"() ({
        %run_scoped3A = tpu.sem_alloc : memref<!tpu.dma_semaphore, #tpu.memory_space<semaphore_mem>>
        %dma_start3A = arith.constant 0 : i32
        %dma_start3A_13 = tpu.memref_slice %arg8[%add3A_12, %dma_start3A] : memref<79x128xi32, #tpu.memory_space<vmem>> -> memref<1x128xi32, #tpu.memory_space<vmem>>
        %dma_start3A_14 = tpu.memref_squeeze %dma_start3A_13 : memref<1x128xi32, #tpu.memory_space<vmem>> -> memref<128xi32, #tpu.memory_space<vmem>>
        %dma_start3A_15 = arith.constant 0 : i32
        %dma_start3A_16 = arith.constant 0 : i32
        %dma_start3A_17 = tpu.memref_slice %arg10[%dma_start3A_15, %dma_start3A_16] : memref<10112x128xf32, #tpu.memory_space<vmem_shared>> -> memref<10112x128xf32, #tpu.memory_space<vmem_shared>>
        tpu.enqueue_indirect_dma source(%arg9 : memref<128x128xf32, #tpu.memory_space<vmem>>) target(%dma_start3A_17 : memref<10112x128xf32, #tpu.memory_space<vmem_shared>>) offsets(%dma_start3A_14 : memref<128xi32, #tpu.memory_space<vmem>>) semaphore(%run_scoped3A : memref<!tpu.dma_semaphore, #tpu.memory_space<semaphore_mem>>) {add = true}
        %dma_wait3A = arith.constant 0 : i32
        %dma_wait3A_18 = tpu.memref_slice %arg8[%add3A_12, %dma_wait3A] : memref<79x128xi32, #tpu.memory_space<vmem>> -> memref<1x128xi32, #tpu.memory_space<vmem>>
        %dma_wait3A_19 = tpu.memref_squeeze %dma_wait3A_18 : memref<1x128xi32, #tpu.memory_space<vmem>> -> memref<128xi32, #tpu.memory_space<vmem>>
        %dma_wait3A_20 = arith.constant 0 : i32
        %dma_wait3A_21 = arith.constant 0 : i32
        %dma_wait3A_22 = tpu.memref_slice %arg10[%dma_wait3A_20, %dma_wait3A_21] : memref<10112x128xf32, #tpu.memory_space<vmem_shared>> -> memref<10112x128xf32, #tpu.memory_space<vmem_shared>>
        tpu.wait_indirect_dma semaphore(%run_scoped3A : memref<!tpu.dma_semaphore, #tpu.memory_space<semaphore_mem>>) src(%arg9 : memref<128x128xf32, #tpu.memory_space<vmem>>) dst(%dma_wait3A_22 : memref<10112x128xf32, #tpu.memory_space<vmem_shared>>)
        tpu.yield
      }) : () -> ()
    }
    %scan3A_6 = arith.constant 79 : i32
    %barrier3A_7 = arith.constant 0 : index
    tpu.barrier barrier_id(%barrier3A_7)
    "tpu.region"() ({
      %run_scoped3A = tpu.sem_alloc : memref<!tpu.dma_semaphore, #tpu.memory_space<semaphore_mem>>
      %dma_start3A = arith.constant 0 : i32
      %dma_start3A_8 = tpu.memref_slice %arg6[%arg0, %mul3A_2, %dma_start3A] : memref<2x10112x128xf32, #tpu.memory_space<hbm>> -> memref<1x632x128xf32, #tpu.memory_space<hbm>>
      %dma_start3A_9 = tpu.memref_squeeze %dma_start3A_8 : memref<1x632x128xf32, #tpu.memory_space<hbm>> -> memref<632x128xf32, #tpu.memory_space<hbm>>
      %dma_start3A_10 = arith.constant 0 : i32
      %dma_start3A_11 = tpu.memref_slice %arg10[%mul3A_2, %dma_start3A_10] : memref<10112x128xf32, #tpu.memory_space<vmem_shared>> -> memref<632x128xf32, #tpu.memory_space<vmem_shared>>
      tpu.enqueue_dma source(%dma_start3A_11 : memref<632x128xf32, #tpu.memory_space<vmem_shared>>) target(%dma_start3A_9 : memref<632x128xf32, #tpu.memory_space<hbm>>) target_semaphore(%run_scoped3A : memref<!tpu.dma_semaphore, #tpu.memory_space<semaphore_mem>>)
      %dma_wait3A = arith.constant 0 : i32
      %dma_wait3A_12 = tpu.memref_slice %arg6[%arg0, %mul3A_2, %dma_wait3A] : memref<2x10112x128xf32, #tpu.memory_space<hbm>> -> memref<1x632x128xf32, #tpu.memory_space<hbm>>
      %dma_wait3A_13 = tpu.memref_squeeze %dma_wait3A_12 : memref<1x632x128xf32, #tpu.memory_space<hbm>> -> memref<632x128xf32, #tpu.memory_space<hbm>>
      %dma_wait3A_14 = arith.constant 0 : i32
      %dma_wait3A_15 = tpu.memref_slice %arg10[%mul3A_2, %dma_wait3A_14] : memref<10112x128xf32, #tpu.memory_space<vmem_shared>> -> memref<632x128xf32, #tpu.memory_space<vmem_shared>>
      tpu.wait_dma2 semaphore(%run_scoped3A : memref<!tpu.dma_semaphore, #tpu.memory_space<semaphore_mem>>) src(%dma_wait3A_15 : memref<632x128xf32, #tpu.memory_space<vmem_shared>>) dst(%dma_wait3A_13 : memref<632x128xf32, #tpu.memory_space<hbm>>)
      tpu.yield
    }) : () -> ()
    return
  }
}

#map = affine_map<(d0, d1) -> (0, 0, 0)>
#map1 = affine_map<(d0, d1) -> (0, 0)>
module attributes {stable_mosaic.version = 14 : i64} {
  func.func @k(%arg0: i32, %arg1: i32, %arg2: memref<32x79x128xi32, #tpu.memory_space<hbm>>, %arg3: memref<128x128xf32, #tpu.memory_space<hbm>>, %arg4: memref<10112x128xf32, #tpu.memory_space<hbm>>, %arg5: memref<2x10112x128xf32, #tpu.memory_space<hbm>>, %arg6: memref<79x128xi32, #tpu.memory_space<vmem>>, %arg7: memref<128x128xf32, #tpu.memory_space<vmem>>, %arg8: memref<10112x128xf32, #tpu.memory_space<vmem_shared>>) attributes {dimension_semantics = [#tpu.dimension_semantics<core_parallel>, #tpu.dimension_semantics<subcore_parallel>], iteration_bounds = array<i64: 2, 16>, scalar_prefetch = 0 : i64, scratch_operands = 3 : i64, tpu.core_type = #tpu.core_type<sc_vector_subcore>, window_params = [{transform_indices = #map}, {transform_indices = #map1}, {transform_indices = #map1}, {transform_indices = #map}]} {
    %mul3A = arith.constant 2 : i32
    %mul3A_0 = arith.muli %arg1, %mul3A : i32
    %add3A = arith.addi %mul3A_0, %arg0 : i32
    "tpu.region"() ({
      %run_scoped3A = tpu.sem_alloc : memref<!tpu.dma_semaphore, #tpu.memory_space<semaphore_mem>>
      %dma_start3A = arith.constant 0 : i32
      %dma_start3A_8 = arith.constant 0 : i32
      %dma_start3A_9 = tpu.memref_slice %arg2[%add3A, %dma_start3A, %dma_start3A_8] : memref<32x79x128xi32, #tpu.memory_space<hbm>> -> memref<1x79x128xi32, #tpu.memory_space<hbm>>
      %dma_start3A_10 = tpu.memref_squeeze %dma_start3A_9 : memref<1x79x128xi32, #tpu.memory_space<hbm>> -> memref<79x128xi32, #tpu.memory_space<hbm>>
      %dma_start3A_11 = arith.constant 0 : i32
      %dma_start3A_12 = arith.constant 0 : i32
      %dma_start3A_13 = tpu.memref_slice %arg2[%add3A, %dma_start3A_11, %dma_start3A_12] : memref<32x79x128xi32, #tpu.memory_space<hbm>> -> memref<1x79x128xi32, #tpu.memory_space<hbm>>
      %dma_start3A_14 = tpu.memref_squeeze %dma_start3A_13 : memref<1x79x128xi32, #tpu.memory_space<hbm>> -> memref<79x128xi32, #tpu.memory_space<hbm>>
      tpu.enqueue_dma source(%dma_start3A_14 : memref<79x128xi32, #tpu.memory_space<hbm>>) target(%arg6 : memref<79x128xi32, #tpu.memory_space<vmem>>) target_semaphore(%run_scoped3A : memref<!tpu.dma_semaphore, #tpu.memory_space<semaphore_mem>>)
      %dma_wait3A = arith.constant 0 : i32
      %dma_wait3A_15 = arith.constant 0 : i32
      %dma_wait3A_16 = tpu.memref_slice %arg2[%add3A, %dma_wait3A, %dma_wait3A_15] : memref<32x79x128xi32, #tpu.memory_space<hbm>> -> memref<1x79x128xi32, #tpu.memory_space<hbm>>
      %dma_wait3A_17 = tpu.memref_squeeze %dma_wait3A_16 : memref<1x79x128xi32, #tpu.memory_space<hbm>> -> memref<79x128xi32, #tpu.memory_space<hbm>>
      %dma_wait3A_18 = arith.constant 0 : i32
      %dma_wait3A_19 = arith.constant 0 : i32
      %dma_wait3A_20 = tpu.memref_slice %arg2[%add3A, %dma_wait3A_18, %dma_wait3A_19] : memref<32x79x128xi32, #tpu.memory_space<hbm>> -> memref<1x79x128xi32, #tpu.memory_space<hbm>>
      %dma_wait3A_21 = tpu.memref_squeeze %dma_wait3A_20 : memref<1x79x128xi32, #tpu.memory_space<hbm>> -> memref<79x128xi32, #tpu.memory_space<hbm>>
      tpu.wait_dma2 semaphore(%run_scoped3A : memref<!tpu.dma_semaphore, #tpu.memory_space<semaphore_mem>>) src(%dma_wait3A_21 : memref<79x128xi32, #tpu.memory_space<hbm>>) dst(%arg6 : memref<79x128xi32, #tpu.memory_space<vmem>>)
      tpu.yield
    }) : () -> ()
    "tpu.region"() ({
      %run_scoped3A = tpu.sem_alloc : memref<!tpu.dma_semaphore, #tpu.memory_space<semaphore_mem>>
      tpu.enqueue_dma source(%arg3 : memref<128x128xf32, #tpu.memory_space<hbm>>) target(%arg7 : memref<128x128xf32, #tpu.memory_space<vmem>>) target_semaphore(%run_scoped3A : memref<!tpu.dma_semaphore, #tpu.memory_space<semaphore_mem>>)
      tpu.wait_dma2 semaphore(%run_scoped3A : memref<!tpu.dma_semaphore, #tpu.memory_space<semaphore_mem>>) src(%arg3 : memref<128x128xf32, #tpu.memory_space<hbm>>) dst(%arg7 : memref<128x128xf32, #tpu.memory_space<vmem>>)
      tpu.yield
    }) : () -> ()
    %mul3A_1 = arith.constant 632 : i32
    %mul3A_2 = arith.muli %arg1, %mul3A_1 : i32
    "tpu.region"() ({
      %run_scoped3A = tpu.sem_alloc : memref<!tpu.dma_semaphore, #tpu.memory_space<semaphore_mem>>
      %dma_start3A = arith.constant 0 : i32
      %dma_start3A_8 = tpu.memref_slice %arg8[%mul3A_2, %dma_start3A] : memref<10112x128xf32, #tpu.memory_space<vmem_shared>> -> memref<632x128xf32, #tpu.memory_space<vmem_shared>>
      %dma_start3A_9 = arith.constant 0 : i32
      %dma_start3A_10 = tpu.memref_slice %arg4[%mul3A_2, %dma_start3A_9] : memref<10112x128xf32, #tpu.memory_space<hbm>> -> memref<632x128xf32, #tpu.memory_space<hbm>>
      tpu.enqueue_dma source(%dma_start3A_10 : memref<632x128xf32, #tpu.memory_space<hbm>>) target(%dma_start3A_8 : memref<632x128xf32, #tpu.memory_space<vmem_shared>>) target_semaphore(%run_scoped3A : memref<!tpu.dma_semaphore, #tpu.memory_space<semaphore_mem>>)
      %dma_wait3A = arith.constant 0 : i32
      %dma_wait3A_11 = tpu.memref_slice %arg8[%mul3A_2, %dma_wait3A] : memref<10112x128xf32, #tpu.memory_space<vmem_shared>> -> memref<632x128xf32, #tpu.memory_space<vmem_shared>>
      %dma_wait3A_12 = arith.constant 0 : i32
      %dma_wait3A_13 = tpu.memref_slice %arg4[%mul3A_2, %dma_wait3A_12] : memref<10112x128xf32, #tpu.memory_space<hbm>> -> memref<632x128xf32, #tpu.memory_space<hbm>>
      tpu.wait_dma2 semaphore(%run_scoped3A : memref<!tpu.dma_semaphore, #tpu.memory_space<semaphore_mem>>) src(%dma_wait3A_13 : memref<632x128xf32, #tpu.memory_space<hbm>>) dst(%dma_wait3A_11 : memref<632x128xf32, #tpu.memory_space<vmem_shared>>)
      tpu.yield
    }) : () -> ()
    %barrier3A = arith.constant 0 : index
    tpu.barrier barrier_id(%barrier3A)
    %scan3A = arith.constant 0 : i32
    %scan3A_3 = arith.constant 79 : i32
    %scan3A_4 = arith.addi %scan3A, %scan3A_3 : i32
    %scan3A_5 = arith.constant 1 : i32
    scf.for %scan3A_8 = %scan3A to %scan3A_4 step %scan3A_5  : i32 {
      %mul3A_9 = arith.constant 1 : i32
      %mul3A_10 = arith.muli %scan3A_8, %mul3A_9 : i32
      %add3A_11 = arith.constant 0 : i32
      %add3A_12 = arith.addi %add3A_11, %mul3A_10 : i32
      "tpu.region"() ({
        %run_scoped3A = tpu.sem_alloc : memref<!tpu.dma_semaphore, #tpu.memory_space<semaphore_mem>>
        %dma_start3A = arith.constant 0 : i32
        %dma_start3A_13 = tpu.memref_slice %arg6[%add3A_12, %dma_start3A] : memref<79x128xi32, #tpu.memory_space<vmem>> -> memref<1x128xi32, #tpu.memory_space<vmem>>
        %dma_start3A_14 = tpu.memref_squeeze %dma_start3A_13 : memref<1x128xi32, #tpu.memory_space<vmem>> -> memref<128xi32, #tpu.memory_space<vmem>>
        %dma_start3A_15 = arith.constant 0 : i32
        %dma_start3A_16 = arith.constant 0 : i32
        %dma_start3A_17 = tpu.memref_slice %arg8[%dma_start3A_15, %dma_start3A_16] : memref<10112x128xf32, #tpu.memory_space<vmem_shared>> -> memref<10112x128xf32, #tpu.memory_space<vmem_shared>>
        tpu.enqueue_indirect_dma source(%arg7 : memref<128x128xf32, #tpu.memory_space<vmem>>) target(%dma_start3A_17 : memref<10112x128xf32, #tpu.memory_space<vmem_shared>>) offsets(%dma_start3A_14 : memref<128xi32, #tpu.memory_space<vmem>>) semaphore(%run_scoped3A : memref<!tpu.dma_semaphore, #tpu.memory_space<semaphore_mem>>) {add = true}
        %dma_wait3A = arith.constant 0 : i32
        %dma_wait3A_18 = tpu.memref_slice %arg6[%add3A_12, %dma_wait3A] : memref<79x128xi32, #tpu.memory_space<vmem>> -> memref<1x128xi32, #tpu.memory_space<vmem>>
        %dma_wait3A_19 = tpu.memref_squeeze %dma_wait3A_18 : memref<1x128xi32, #tpu.memory_space<vmem>> -> memref<128xi32, #tpu.memory_space<vmem>>
        %dma_wait3A_20 = arith.constant 0 : i32
        %dma_wait3A_21 = arith.constant 0 : i32
        %dma_wait3A_22 = tpu.memref_slice %arg8[%dma_wait3A_20, %dma_wait3A_21] : memref<10112x128xf32, #tpu.memory_space<vmem_shared>> -> memref<10112x128xf32, #tpu.memory_space<vmem_shared>>
        tpu.wait_indirect_dma semaphore(%run_scoped3A : memref<!tpu.dma_semaphore, #tpu.memory_space<semaphore_mem>>) src(%arg7 : memref<128x128xf32, #tpu.memory_space<vmem>>) dst(%dma_wait3A_22 : memref<10112x128xf32, #tpu.memory_space<vmem_shared>>)
        tpu.yield
      }) : () -> ()
    }
    %scan3A_6 = arith.constant 79 : i32
    %barrier3A_7 = arith.constant 0 : index
    tpu.barrier barrier_id(%barrier3A_7)
    "tpu.region"() ({
      %run_scoped3A = tpu.sem_alloc : memref<!tpu.dma_semaphore, #tpu.memory_space<semaphore_mem>>
      %dma_start3A = arith.constant 0 : i32
      %dma_start3A_8 = tpu.memref_slice %arg5[%arg0, %mul3A_2, %dma_start3A] : memref<2x10112x128xf32, #tpu.memory_space<hbm>> -> memref<1x632x128xf32, #tpu.memory_space<hbm>>
      %dma_start3A_9 = tpu.memref_squeeze %dma_start3A_8 : memref<1x632x128xf32, #tpu.memory_space<hbm>> -> memref<632x128xf32, #tpu.memory_space<hbm>>
      %dma_start3A_10 = arith.constant 0 : i32
      %dma_start3A_11 = tpu.memref_slice %arg8[%mul3A_2, %dma_start3A_10] : memref<10112x128xf32, #tpu.memory_space<vmem_shared>> -> memref<632x128xf32, #tpu.memory_space<vmem_shared>>
      tpu.enqueue_dma source(%dma_start3A_11 : memref<632x128xf32, #tpu.memory_space<vmem_shared>>) target(%dma_start3A_9 : memref<632x128xf32, #tpu.memory_space<hbm>>) target_semaphore(%run_scoped3A : memref<!tpu.dma_semaphore, #tpu.memory_space<semaphore_mem>>)
      %dma_wait3A = arith.constant 0 : i32
      %dma_wait3A_12 = tpu.memref_slice %arg5[%arg0, %mul3A_2, %dma_wait3A] : memref<2x10112x128xf32, #tpu.memory_space<hbm>> -> memref<1x632x128xf32, #tpu.memory_space<hbm>>
      %dma_wait3A_13 = tpu.memref_squeeze %dma_wait3A_12 : memref<1x632x128xf32, #tpu.memory_space<hbm>> -> memref<632x128xf32, #tpu.memory_space<hbm>>
      %dma_wait3A_14 = arith.constant 0 : i32
      %dma_wait3A_15 = tpu.memref_slice %arg8[%mul3A_2, %dma_wait3A_14] : memref<10112x128xf32, #tpu.memory_space<vmem_shared>> -> memref<632x128xf32, #tpu.memory_space<vmem_shared>>
      tpu.wait_dma2 semaphore(%run_scoped3A : memref<!tpu.dma_semaphore, #tpu.memory_space<semaphore_mem>>) src(%dma_wait3A_15 : memref<632x128xf32, #tpu.memory_space<vmem_shared>>) dst(%dma_wait3A_13 : memref<632x128xf32, #tpu.memory_space<hbm>>)
      tpu.yield
    }) : () -> ()
    return
  }
}

#map = affine_map<(d0, d1) -> (0, 0)>
#map1 = affine_map<(d0, d1) -> (0, 0, 0)>
module attributes {stable_mosaic.version = 14 : i64} {
  func.func @k(%arg0: i32, %arg1: i32, %arg2: memref<10000x128xf32, #tpu.memory_space<hbm>>, %arg3: memref<32x79x128xi32, #tpu.memory_space<hbm>>, %arg4: memref<32x79x128xi32, #tpu.memory_space<hbm>>, %arg5: memref<10112x128xf32, #tpu.memory_space<hbm>>, %arg6: memref<2x10112x128xf32, #tpu.memory_space<hbm>>, %arg7: memref<79x128xi32, #tpu.memory_space<vmem>>, %arg8: memref<79x128xi32, #tpu.memory_space<vmem>>, %arg9: memref<128x128xf32, #tpu.memory_space<vmem>>, %arg10: memref<10112x128xf32, #tpu.memory_space<vmem_shared>>) attributes {dimension_semantics = [#tpu.dimension_semantics<core_parallel>, #tpu.dimension_semantics<subcore_parallel>], iteration_bounds = array<i64: 2, 16>, scalar_prefetch = 0 : i64, scratch_operands = 4 : i64, tpu.core_type = #tpu.core_type<sc_vector_subcore>, window_params = [{transform_indices = #map}, {transform_indices = #map1}, {transform_indices = #map1}, {transform_indices = #map}, {transform_indices = #map1}]} {
    %mul3A = arith.constant 2 : i32
    %mul3A_0 = arith.muli %arg1, %mul3A : i32
    %add3A = arith.addi %mul3A_0, %arg0 : i32
    %mul3A_1 = arith.constant 632 : i32
    %mul3A_2 = arith.muli %arg1, %mul3A_1 : i32
    "tpu.region"() ({
      %run_scoped3A = tpu.sem_alloc : memref<!tpu.dma_semaphore, #tpu.memory_space<semaphore_mem>>
      %dma_start3A = arith.constant 0 : i32
      %dma_start3A_8 = tpu.memref_slice %arg10[%mul3A_2, %dma_start3A] : memref<10112x128xf32, #tpu.memory_space<vmem_shared>> -> memref<632x128xf32, #tpu.memory_space<vmem_shared>>
      %dma_start3A_9 = arith.constant 0 : i32
      %dma_start3A_10 = tpu.memref_slice %arg5[%mul3A_2, %dma_start3A_9] : memref<10112x128xf32, #tpu.memory_space<hbm>> -> memref<632x128xf32, #tpu.memory_space<hbm>>
      tpu.enqueue_dma source(%dma_start3A_10 : memref<632x128xf32, #tpu.memory_space<hbm>>) target(%dma_start3A_8 : memref<632x128xf32, #tpu.memory_space<vmem_shared>>) target_semaphore(%run_scoped3A : memref<!tpu.dma_semaphore, #tpu.memory_space<semaphore_mem>>)
      %dma_wait3A = arith.constant 0 : i32
      %dma_wait3A_11 = tpu.memref_slice %arg10[%mul3A_2, %dma_wait3A] : memref<10112x128xf32, #tpu.memory_space<vmem_shared>> -> memref<632x128xf32, #tpu.memory_space<vmem_shared>>
      %dma_wait3A_12 = arith.constant 0 : i32
      %dma_wait3A_13 = tpu.memref_slice %arg5[%mul3A_2, %dma_wait3A_12] : memref<10112x128xf32, #tpu.memory_space<hbm>> -> memref<632x128xf32, #tpu.memory_space<hbm>>
      tpu.wait_dma2 semaphore(%run_scoped3A : memref<!tpu.dma_semaphore, #tpu.memory_space<semaphore_mem>>) src(%dma_wait3A_13 : memref<632x128xf32, #tpu.memory_space<hbm>>) dst(%dma_wait3A_11 : memref<632x128xf32, #tpu.memory_space<vmem_shared>>)
      tpu.yield
    }) : () -> ()
    "tpu.region"() ({
      %run_scoped3A = tpu.sem_alloc : memref<!tpu.dma_semaphore, #tpu.memory_space<semaphore_mem>>
      %dma_start3A = arith.constant 0 : i32
      %dma_start3A_8 = arith.constant 0 : i32
      %dma_start3A_9 = tpu.memref_slice %arg3[%add3A, %dma_start3A, %dma_start3A_8] : memref<32x79x128xi32, #tpu.memory_space<hbm>> -> memref<1x79x128xi32, #tpu.memory_space<hbm>>
      %dma_start3A_10 = tpu.memref_squeeze %dma_start3A_9 : memref<1x79x128xi32, #tpu.memory_space<hbm>> -> memref<79x128xi32, #tpu.memory_space<hbm>>
      %dma_start3A_11 = arith.constant 0 : i32
      %dma_start3A_12 = arith.constant 0 : i32
      %dma_start3A_13 = tpu.memref_slice %arg3[%add3A, %dma_start3A_11, %dma_start3A_12] : memref<32x79x128xi32, #tpu.memory_space<hbm>> -> memref<1x79x128xi32, #tpu.memory_space<hbm>>
      %dma_start3A_14 = tpu.memref_squeeze %dma_start3A_13 : memref<1x79x128xi32, #tpu.memory_space<hbm>> -> memref<79x128xi32, #tpu.memory_space<hbm>>
      tpu.enqueue_dma source(%dma_start3A_14 : memref<79x128xi32, #tpu.memory_space<hbm>>) target(%arg7 : memref<79x128xi32, #tpu.memory_space<vmem>>) target_semaphore(%run_scoped3A : memref<!tpu.dma_semaphore, #tpu.memory_space<semaphore_mem>>)
      %dma_wait3A = arith.constant 0 : i32
      %dma_wait3A_15 = arith.constant 0 : i32
      %dma_wait3A_16 = tpu.memref_slice %arg3[%add3A, %dma_wait3A, %dma_wait3A_15] : memref<32x79x128xi32, #tpu.memory_space<hbm>> -> memref<1x79x128xi32, #tpu.memory_space<hbm>>
      %dma_wait3A_17 = tpu.memref_squeeze %dma_wait3A_16 : memref<1x79x128xi32, #tpu.memory_space<hbm>> -> memref<79x128xi32, #tpu.memory_space<hbm>>
      %dma_wait3A_18 = arith.constant 0 : i32
      %dma_wait3A_19 = arith.constant 0 : i32
      %dma_wait3A_20 = tpu.memref_slice %arg3[%add3A, %dma_wait3A_18, %dma_wait3A_19] : memref<32x79x128xi32, #tpu.memory_space<hbm>> -> memref<1x79x128xi32, #tpu.memory_space<hbm>>
      %dma_wait3A_21 = tpu.memref_squeeze %dma_wait3A_20 : memref<1x79x128xi32, #tpu.memory_space<hbm>> -> memref<79x128xi32, #tpu.memory_space<hbm>>
      tpu.wait_dma2 semaphore(%run_scoped3A : memref<!tpu.dma_semaphore, #tpu.memory_space<semaphore_mem>>) src(%dma_wait3A_21 : memref<79x128xi32, #tpu.memory_space<hbm>>) dst(%arg7 : memref<79x128xi32, #tpu.memory_space<vmem>>)
      tpu.yield
    }) : () -> ()
    "tpu.region"() ({
      %run_scoped3A = tpu.sem_alloc : memref<!tpu.dma_semaphore, #tpu.memory_space<semaphore_mem>>
      %dma_start3A = arith.constant 0 : i32
      %dma_start3A_8 = arith.constant 0 : i32
      %dma_start3A_9 = tpu.memref_slice %arg4[%add3A, %dma_start3A, %dma_start3A_8] : memref<32x79x128xi32, #tpu.memory_space<hbm>> -> memref<1x79x128xi32, #tpu.memory_space<hbm>>
      %dma_start3A_10 = tpu.memref_squeeze %dma_start3A_9 : memref<1x79x128xi32, #tpu.memory_space<hbm>> -> memref<79x128xi32, #tpu.memory_space<hbm>>
      %dma_start3A_11 = arith.constant 0 : i32
      %dma_start3A_12 = arith.constant 0 : i32
      %dma_start3A_13 = tpu.memref_slice %arg4[%add3A, %dma_start3A_11, %dma_start3A_12] : memref<32x79x128xi32, #tpu.memory_space<hbm>> -> memref<1x79x128xi32, #tpu.memory_space<hbm>>
      %dma_start3A_14 = tpu.memref_squeeze %dma_start3A_13 : memref<1x79x128xi32, #tpu.memory_space<hbm>> -> memref<79x128xi32, #tpu.memory_space<hbm>>
      tpu.enqueue_dma source(%dma_start3A_14 : memref<79x128xi32, #tpu.memory_space<hbm>>) target(%arg8 : memref<79x128xi32, #tpu.memory_space<vmem>>) target_semaphore(%run_scoped3A : memref<!tpu.dma_semaphore, #tpu.memory_space<semaphore_mem>>)
      %dma_wait3A = arith.constant 0 : i32
      %dma_wait3A_15 = arith.constant 0 : i32
      %dma_wait3A_16 = tpu.memref_slice %arg4[%add3A, %dma_wait3A, %dma_wait3A_15] : memref<32x79x128xi32, #tpu.memory_space<hbm>> -> memref<1x79x128xi32, #tpu.memory_space<hbm>>
      %dma_wait3A_17 = tpu.memref_squeeze %dma_wait3A_16 : memref<1x79x128xi32, #tpu.memory_space<hbm>> -> memref<79x128xi32, #tpu.memory_space<hbm>>
      %dma_wait3A_18 = arith.constant 0 : i32
      %dma_wait3A_19 = arith.constant 0 : i32
      %dma_wait3A_20 = tpu.memref_slice %arg4[%add3A, %dma_wait3A_18, %dma_wait3A_19] : memref<32x79x128xi32, #tpu.memory_space<hbm>> -> memref<1x79x128xi32, #tpu.memory_space<hbm>>
      %dma_wait3A_21 = tpu.memref_squeeze %dma_wait3A_20 : memref<1x79x128xi32, #tpu.memory_space<hbm>> -> memref<79x128xi32, #tpu.memory_space<hbm>>
      tpu.wait_dma2 semaphore(%run_scoped3A : memref<!tpu.dma_semaphore, #tpu.memory_space<semaphore_mem>>) src(%dma_wait3A_21 : memref<79x128xi32, #tpu.memory_space<hbm>>) dst(%arg8 : memref<79x128xi32, #tpu.memory_space<vmem>>)
      tpu.yield
    }) : () -> ()
    %barrier3A = arith.constant 0 : index
    tpu.barrier barrier_id(%barrier3A)
    %scan3A = arith.constant 0 : i32
    %scan3A_3 = arith.constant 79 : i32
    %scan3A_4 = arith.addi %scan3A, %scan3A_3 : i32
    %scan3A_5 = arith.constant 1 : i32
    scf.for %scan3A_8 = %scan3A to %scan3A_4 step %scan3A_5  : i32 {
      %mul3A_9 = arith.constant 1 : i32
      %mul3A_10 = arith.muli %scan3A_8, %mul3A_9 : i32
      %add3A_11 = arith.constant 0 : i32
      %add3A_12 = arith.addi %add3A_11, %mul3A_10 : i32
      "tpu.region"() ({
        %run_scoped3A = tpu.sem_alloc : memref<!tpu.dma_semaphore, #tpu.memory_space<semaphore_mem>>
        %dma_start3A = arith.constant 0 : i32
        %dma_start3A_13 = tpu.memref_slice %arg7[%add3A_12, %dma_start3A] : memref<79x128xi32, #tpu.memory_space<vmem>> -> memref<1x128xi32, #tpu.memory_space<vmem>>
        %dma_start3A_14 = tpu.memref_squeeze %dma_start3A_13 : memref<1x128xi32, #tpu.memory_space<vmem>> -> memref<128xi32, #tpu.memory_space<vmem>>
        %dma_start3A_15 = arith.constant 0 : i32
        %dma_start3A_16 = arith.constant 0 : i32
        %dma_start3A_17 = tpu.memref_slice %arg2[%dma_start3A_15, %dma_start3A_16] : memref<10000x128xf32, #tpu.memory_space<hbm>> -> memref<10000x128xf32, #tpu.memory_space<hbm>>
        tpu.enqueue_indirect_dma source(%dma_start3A_17 : memref<10000x128xf32, #tpu.memory_space<hbm>>) target(%arg9 : memref<128x128xf32, #tpu.memory_space<vmem>>) offsets(%dma_start3A_14 : memref<128xi32, #tpu.memory_space<vmem>>) semaphore(%run_scoped3A : memref<!tpu.dma_semaphore, #tpu.memory_space<semaphore_mem>>)
        %dma_wait3A = arith.constant 0 : i32
        %dma_wait3A_18 = tpu.memref_slice %arg7[%add3A_12, %dma_wait3A] : memref<79x128xi32, #tpu.memory_space<vmem>> -> memref<1x128xi32, #tpu.memory_space<vmem>>
        %dma_wait3A_19 = tpu.memref_squeeze %dma_wait3A_18 : memref<1x128xi32, #tpu.memory_space<vmem>> -> memref<128xi32, #tpu.memory_space<vmem>>
        %dma_wait3A_20 = arith.constant 0 : i32
        %dma_wait3A_21 = arith.constant 0 : i32
        %dma_wait3A_22 = tpu.memref_slice %arg2[%dma_wait3A_20, %dma_wait3A_21] : memref<10000x128xf32, #tpu.memory_space<hbm>> -> memref<10000x128xf32, #tpu.memory_space<hbm>>
        tpu.wait_indirect_dma semaphore(%run_scoped3A : memref<!tpu.dma_semaphore, #tpu.memory_space<semaphore_mem>>) src(%dma_wait3A_22 : memref<10000x128xf32, #tpu.memory_space<hbm>>) dst(%arg9 : memref<128x128xf32, #tpu.memory_space<vmem>>)
        tpu.yield
      }) : () -> ()
      "tpu.region"() ({
        %run_scoped3A = tpu.sem_alloc : memref<!tpu.dma_semaphore, #tpu.memory_space<semaphore_mem>>
        %dma_start3A = arith.constant 0 : i32
        %dma_start3A_13 = tpu.memref_slice %arg8[%add3A_12, %dma_start3A] : memref<79x128xi32, #tpu.memory_space<vmem>> -> memref<1x128xi32, #tpu.memory_space<vmem>>
        %dma_start3A_14 = tpu.memref_squeeze %dma_start3A_13 : memref<1x128xi32, #tpu.memory_space<vmem>> -> memref<128xi32, #tpu.memory_space<vmem>>
        %dma_start3A_15 = arith.constant 0 : i32
        %dma_start3A_16 = arith.constant 0 : i32
        %dma_start3A_17 = tpu.memref_slice %arg10[%dma_start3A_15, %dma_start3A_16] : memref<10112x128xf32, #tpu.memory_space<vmem_shared>> -> memref<10112x128xf32, #tpu.memory_space<vmem_shared>>
        tpu.enqueue_indirect_dma source(%arg9 : memref<128x128xf32, #tpu.memory_space<vmem>>) target(%dma_start3A_17 : memref<10112x128xf32, #tpu.memory_space<vmem_shared>>) offsets(%dma_start3A_14 : memref<128xi32, #tpu.memory_space<vmem>>) semaphore(%run_scoped3A : memref<!tpu.dma_semaphore, #tpu.memory_space<semaphore_mem>>) {add = true}
        %dma_wait3A = arith.constant 0 : i32
        %dma_wait3A_18 = tpu.memref_slice %arg8[%add3A_12, %dma_wait3A] : memref<79x128xi32, #tpu.memory_space<vmem>> -> memref<1x128xi32, #tpu.memory_space<vmem>>
        %dma_wait3A_19 = tpu.memref_squeeze %dma_wait3A_18 : memref<1x128xi32, #tpu.memory_space<vmem>> -> memref<128xi32, #tpu.memory_space<vmem>>
        %dma_wait3A_20 = arith.constant 0 : i32
        %dma_wait3A_21 = arith.constant 0 : i32
        %dma_wait3A_22 = tpu.memref_slice %arg10[%dma_wait3A_20, %dma_wait3A_21] : memref<10112x128xf32, #tpu.memory_space<vmem_shared>> -> memref<10112x128xf32, #tpu.memory_space<vmem_shared>>
        tpu.wait_indirect_dma semaphore(%run_scoped3A : memref<!tpu.dma_semaphore, #tpu.memory_space<semaphore_mem>>) src(%arg9 : memref<128x128xf32, #tpu.memory_space<vmem>>) dst(%dma_wait3A_22 : memref<10112x128xf32, #tpu.memory_space<vmem_shared>>)
        tpu.yield
      }) : () -> ()
    }
    %scan3A_6 = arith.constant 79 : i32
    %barrier3A_7 = arith.constant 0 : index
    tpu.barrier barrier_id(%barrier3A_7)
    "tpu.region"() ({
      %run_scoped3A = tpu.sem_alloc : memref<!tpu.dma_semaphore, #tpu.memory_space<semaphore_mem>>
      %dma_start3A = arith.constant 0 : i32
      %dma_start3A_8 = tpu.memref_slice %arg6[%arg0, %mul3A_2, %dma_start3A] : memref<2x10112x128xf32, #tpu.memory_space<hbm>> -> memref<1x632x128xf32, #tpu.memory_space<hbm>>
      %dma_start3A_9 = tpu.memref_squeeze %dma_start3A_8 : memref<1x632x128xf32, #tpu.memory_space<hbm>> -> memref<632x128xf32, #tpu.memory_space<hbm>>
      %dma_start3A_10 = arith.constant 0 : i32
      %dma_start3A_11 = tpu.memref_slice %arg10[%mul3A_2, %dma_start3A_10] : memref<10112x128xf32, #tpu.memory_space<vmem_shared>> -> memref<632x128xf32, #tpu.memory_space<vmem_shared>>
      tpu.enqueue_dma source(%dma_start3A_11 : memref<632x128xf32, #tpu.memory_space<vmem_shared>>) target(%dma_start3A_9 : memref<632x128xf32, #tpu.memory_space<hbm>>) target_semaphore(%run_scoped3A : memref<!tpu.dma_semaphore, #tpu.memory_space<semaphore_mem>>)
      %dma_wait3A = arith.constant 0 : i32
      %dma_wait3A_12 = tpu.memref_slice %arg6[%arg0, %mul3A_2, %dma_wait3A] : memref<2x10112x128xf32, #tpu.memory_space<hbm>> -> memref<1x632x128xf32, #tpu.memory_space<hbm>>
      %dma_wait3A_13 = tpu.memref_squeeze %dma_wait3A_12 : memref<1x632x128xf32, #tpu.memory_space<hbm>> -> memref<632x128xf32, #tpu.memory_space<hbm>>
      %dma_wait3A_14 = arith.constant 0 : i32
      %dma_wait3A_15 = tpu.memref_slice %arg10[%mul3A_2, %dma_wait3A_14] : memref<10112x128xf32, #tpu.memory_space<vmem_shared>> -> memref<632x128xf32, #tpu.memory_space<vmem_shared>>
      tpu.wait_dma2 semaphore(%run_scoped3A : memref<!tpu.dma_semaphore, #tpu.memory_space<semaphore_mem>>) src(%dma_wait3A_15 : memref<632x128xf32, #tpu.memory_space<vmem_shared>>) dst(%dma_wait3A_13 : memref<632x128xf32, #tpu.memory_space<hbm>>)
      tpu.yield
    }) : () -> ()
    return
  }
}

module attributes {stable_mosaic.version = 14 : i64} {
  func.func @_mm_body(%arg0: i32, %arg1: memref<1000x128xf32, #tpu.memory_space<vmem>>, %arg2: memref<128x128xf32, #tpu.memory_space<vmem>>, %arg3: memref<1000x128xf32, #tpu.memory_space<vmem>>) attributes {dimension_semantics = [#tpu.dimension_semantics<arbitrary>], iteration_bounds = array<i64: 10>, scalar_prefetch = 0 : i64, scratch_operands = 0 : i64, tpu.core_type = #tpu.core_type<tc>, window_params = [{transform_indices = @transform_0, window_bounds = array<i64: 1000, 128>}, {pipeline_mode = #tpu.pipeline_mode<synchronous>, transform_indices = @transform_1, window_bounds = array<i64: 128, 128>}, {transform_indices = @transform_2, window_bounds = array<i64: 1000, 128>}]} {
    %get3A = arith.constant 0 : index
    %get3A_0 = arith.constant 0 : index
    %get3A_1 = vector.load %arg1[%get3A, %get3A_0] : memref<1000x128xf32, #tpu.memory_space<vmem>>, vector<1000x128xf32>
    %get3A_2 = arith.constant 0 : index
    %get3A_3 = arith.constant 0 : index
    %get3A_4 = vector.load %arg2[%get3A_2, %get3A_3] : memref<128x128xf32, #tpu.memory_space<vmem>>, vector<128x128xf32>
    %dot_general3A = arith.constant dense<0.000000e+00> : vector<1000x128xf32>
    %dot_general3A_5 = tpu.matmul %get3A_1, %get3A_4, %dot_general3A {dimension_numbers = #tpu.dot_dimension_numbers<[1], [0], [0], [1], [0, 0, 1, 1], [], []>, transpose_lhs_hint = false} : vector<1000x128xf32>, vector<128x128xf32>, vector<1000x128xf32> -> vector<1000x128xf32>
    %swap3A = arith.constant 0 : index
    %swap3A_6 = arith.constant 0 : index
    %swap3A_7 = vector.load %arg3[%swap3A, %swap3A_6] : memref<1000x128xf32, #tpu.memory_space<vmem>>, vector<1000x128xf32>
    tpu.vector_store %arg3[%swap3A, %swap3A_6], %dot_general3A_5 {strides = array<i32>} : memref<1000x128xf32, #tpu.memory_space<vmem>>, vector<1000x128xf32>,
    return
  }
  func.func @transform_0(%arg0: i32) -> (i32, i32) {
    %c0_i32 = arith.constant 0 : i32
    %c0_i32_0 = arith.constant 0 : i32
    return %arg0, %c0_i32 : i32, i32
  }
  func.func @transform_1(%arg0: i32) -> (i32, i32) {
    %c0_i32 = arith.constant 0 : i32
    %c0_i32_0 = arith.constant 0 : i32
    %c0_i32_1 = arith.constant 0 : i32
    return %c0_i32, %c0_i32_0 : i32, i32
  }
  func.func @transform_2(%arg0: i32) -> (i32, i32) {
    %c0_i32 = arith.constant 0 : i32
    %c0_i32_0 = arith.constant 0 : i32
    return %arg0, %c0_i32 : i32, i32
  }
}

module attributes {stable_mosaic.version = 14 : i64} {
  func.func @_scale_body(%arg0: i32, %arg1: memref<1000x128xf32, #tpu.memory_space<vmem>>, %arg2: memref<2x1000x128xf32, #tpu.memory_space<vmem>>, %arg3: memref<1000x128xf32, #tpu.memory_space<vmem>>) attributes {dimension_semantics = [#tpu.dimension_semantics<arbitrary>], iteration_bounds = array<i64: 10>, scalar_prefetch = 0 : i64, scratch_operands = 0 : i64, tpu.core_type = #tpu.core_type<tc>, window_params = [{transform_indices = @transform_0, window_bounds = array<i64: 1000, 128>}, {transform_indices = @transform_1, window_bounds = array<i64: 2, 1000, 128>}, {transform_indices = @transform_2, window_bounds = array<i64: 1000, 128>}]} {
    %get3A = arith.constant 0 : index
    %get3A_0 = arith.constant 0 : index
    %get3A_1 = vector.load %arg1[%get3A, %get3A_0] : memref<1000x128xf32, #tpu.memory_space<vmem>>, vector<1000x128xf32>
    %get3A_2 = arith.constant 0 : index
    %get3A_3 = arith.constant 0 : index
    %get3A_4 = arith.constant 0 : index
    %get3A_5 = vector.load %arg2[%get3A_2, %get3A_3, %get3A_4] : memref<2x1000x128xf32, #tpu.memory_space<vmem>>, vector<1x1000x1xf32>
    %get3A_6 = vector.shape_cast %get3A_5 : vector<1x1000x1xf32> to vector<1000x1xf32>
    %add3A = arith.constant 1.000000e+00 : f32
    %add3A_7 = vector.broadcast %add3A : f32 to vector<1000x1xf32>
    %add3A_8 = arith.addf %add3A_7, %get3A_6 : vector<1000x1xf32>
    %get3A_9 = arith.constant 1 : index
    %get3A_10 = arith.constant 0 : index
    %get3A_11 = arith.constant 0 : index
    %get3A_12 = vector.load %arg2[%get3A_9, %get3A_10, %get3A_11] : memref<2x1000x128xf32, #tpu.memory_space<vmem>>, vector<1x1000x1xf32>
    %get3A_13 = vector.shape_cast %get3A_12 : vector<1x1000x1xf32> to vector<1000x1xf32>
    %add3A_14 = arith.addf %add3A_8, %get3A_13 : vector<1000x1xf32>
    %rsqrt3A = math.rsqrt %add3A_14 : vector<1000x1xf32>
    %mul3A = vector.broadcast %rsqrt3A : vector<1000x1xf32> to vector<1000x128xf32>
    %mul3A_15 = arith.mulf %get3A_1, %mul3A : vector<1000x128xf32>
    %swap3A = arith.constant 0 : index
    %swap3A_16 = arith.constant 0 : index
    %swap3A_17 = vector.load %arg3[%swap3A, %swap3A_16] : memref<1000x128xf32, #tpu.memory_space<vmem>>, vector<1000x128xf32>
    tpu.vector_store %arg3[%swap3A, %swap3A_16], %mul3A_15 {strides = array<i32>} : memref<1000x128xf32, #tpu.memory_space<vmem>>, vector<1000x128xf32>,
    return
  }
  func.func @transform_0(%arg0: i32) -> (i32, i32) {
    %c0_i32 = arith.constant 0 : i32
    %c0_i32_0 = arith.constant 0 : i32
    return %arg0, %c0_i32 : i32, i32
  }
  func.func @transform_1(%arg0: i32) -> (i32, i32, i32) {
    %c0_i32 = arith.constant 0 : i32
    %c0_i32_0 = arith.constant 0 : i32
    %c0_i32_1 = arith.constant 0 : i32
    return %c0_i32, %arg0, %c0_i32_0 : i32, i32, i32
  }
  func.func @transform_2(%arg0: i32) -> (i32, i32) {
    %c0_i32 = arith.constant 0 : i32
    %c0_i32_0 = arith.constant 0 : i32
    return %arg0, %c0_i32 : i32, i32
  }
}

module attributes {stable_mosaic.version = 14 : i64} {
  func.func @_stats_body(%arg0: i32, %arg1: memref<2x1000x128xf32, #tpu.memory_space<vmem>>, %arg2: memref<1000x128xf32, #tpu.memory_space<vmem>>, %arg3: memref<2x1000x128xf32, #tpu.memory_space<vmem>>, %arg4: memref<1x128xf32, #tpu.memory_space<vmem>>, %arg5: memref<8x128xf32, #tpu.memory_space<vmem>>) attributes {dimension_semantics = [#tpu.dimension_semantics<arbitrary>], iteration_bounds = array<i64: 10>, scalar_prefetch = 0 : i64, scratch_operands = 0 : i64, tpu.core_type = #tpu.core_type<tc>, window_params = [{transform_indices = @transform_0, window_bounds = array<i64: 2, 1000, 128>}, {transform_indices = @transform_1, window_bounds = array<i64: 1000, 128>}, {transform_indices = @transform_2, window_bounds = array<i64: 2, 1000, 128>}, {pipeline_mode = #tpu.pipeline_mode<synchronous>, transform_indices = @transform_3, window_bounds = array<i64: 1, 128>}, {pipeline_mode = #tpu.pipeline_mode<synchronous>, transform_indices = @transform_4, window_bounds = array<i64: 8, 128>}]} {
    %get3A = arith.constant 0 : index
    %get3A_0 = arith.constant 0 : index
    %get3A_1 = arith.constant 0 : index
    %get3A_2 = vector.load %arg1[%get3A, %get3A_0, %get3A_1] : memref<2x1000x128xf32, #tpu.memory_space<vmem>>, vector<1x1000x128xf32>
    %get3A_3 = vector.shape_cast %get3A_2 : vector<1x1000x128xf32> to vector<1000x128xf32>
    %get3A_4 = arith.constant 0 : index
    %get3A_5 = arith.constant 0 : index
    %get3A_6 = vector.load %arg2[%get3A_4, %get3A_5] : memref<1000x128xf32, #tpu.memory_space<vmem>>, vector<1000x128xf32>
    %add3A = arith.addf %get3A_3, %get3A_6 : vector<1000x128xf32>
    %get3A_7 = arith.constant 1 : index
    %get3A_8 = arith.constant 0 : index
    %get3A_9 = arith.constant 0 : index
    %get3A_10 = vector.load %arg1[%get3A_7, %get3A_8, %get3A_9] : memref<2x1000x128xf32, #tpu.memory_space<vmem>>, vector<1x1000x128xf32>
    %get3A_11 = vector.shape_cast %get3A_10 : vector<1x1000x128xf32> to vector<1000x128xf32>
    %add3A_12 = arith.addf %add3A, %get3A_11 : vector<1000x128xf32>
    %get3A_13 = arith.constant 0 : index
    %get3A_14 = arith.constant 0 : index
    %get3A_15 = arith.constant 0 : index
    %get3A_16 = vector.load %arg3[%get3A_13, %get3A_14, %get3A_15] : memref<2x1000x128xf32, #tpu.memory_space<vmem>>, vector<1x1000x1xf32>
    %get3A_17 = vector.shape_cast %get3A_16 : vector<1x1000x1xf32> to vector<1000x1xf32>
    %add3A_18 = arith.constant 1.000000e+00 : f32
    %add3A_19 = vector.broadcast %add3A_18 : f32 to vector<1000x1xf32>
    %add3A_20 = arith.addf %add3A_19, %get3A_17 : vector<1000x1xf32>
    %get3A_21 = arith.constant 1 : index
    %get3A_22 = arith.constant 0 : index
    %get3A_23 = arith.constant 0 : index
    %get3A_24 = vector.load %arg3[%get3A_21, %get3A_22, %get3A_23] : memref<2x1000x128xf32, #tpu.memory_space<vmem>>, vector<1x1000x1xf32>
    %get3A_25 = vector.shape_cast %get3A_24 : vector<1x1000x1xf32> to vector<1000x1xf32>
    %add3A_26 = arith.addf %add3A_20, %get3A_25 : vector<1000x1xf32>
    %rsqrt3A = math.rsqrt %add3A_26 : vector<1000x1xf32>
    %mul3A = vector.broadcast %rsqrt3A : vector<1000x1xf32> to vector<1000x128xf32>
    %mul3A_27 = arith.mulf %add3A_12, %mul3A : vector<1000x128xf32>
    %get3A_28 = arith.constant 0 : index
    %get3A_29 = arith.constant 0 : index
    %get3A_30 = vector.load %arg4[%get3A_28, %get3A_29] : memref<1x128xf32, #tpu.memory_space<vmem>>, vector<1x128xf32>
    %add3A_31 = vector.broadcast %get3A_30 : vector<1x128xf32> to vector<1000x128xf32>
    %add3A_32 = arith.addf %mul3A_27, %add3A_31 : vector<1000x128xf32>
    %eq3A = arith.constant 0 : i32
    %eq3A_33 = arith.cmpi eq, %arg0, %eq3A : i32
    %convert_element_type3A = arith.extui %eq3A_33 : i1 to i32
    %cond3A = arith.constant 0 : i32
    %cond3A_34 = arith.cmpi ne, %convert_element_type3A, %cond3A : i32
    scf.if %cond3A_34 {
      %broadcast_in_dim3A_53 = arith.constant 0.000000e+00 : f32
      %broadcast_in_dim3A_54 = vector.broadcast %broadcast_in_dim3A_53 : f32 to vector<8x128xf32>
      %swap3A_55 = arith.constant 0 : index
      %swap3A_56 = arith.constant 0 : index
      %swap3A_57 = vector.load %arg5[%swap3A_55, %swap3A_56] : memref<8x128xf32, #tpu.memory_space<vmem>>, vector<8x128xf32>
      tpu.vector_store %arg5[%swap3A_55, %swap3A_56], %broadcast_in_dim3A_54 {strides = array<i32>} : memref<8x128xf32, #tpu.memory_space<vmem>>, vector<8x128xf32>,
    } else {
    }
    %get3A_35 = arith.constant 0 : index
    %get3A_36 = arith.constant 0 : index
    %get3A_37 = vector.load %arg5[%get3A_35, %get3A_36] : memref<8x128xf32, #tpu.memory_space<vmem>>, vector<1x128xf32>
    %reduce_sum3A = arith.constant dense<0.000000e+00> : vector<128xf32>
    %reduce_sum3A_38 = vector.multi_reduction <add>, %add3A_32, %reduce_sum3A [0] : vector<1000x128xf32> to vector<128xf32>
    %broadcast_in_dim3A = vector.shape_cast %reduce_sum3A_38 : vector<128xf32> to vector<1x128xf32>
    %add3A_39 = arith.addf %get3A_37, %broadcast_in_dim3A : vector<1x128xf32>
    %swap3A = arith.constant 0 : index
    %swap3A_40 = arith.constant 0 : index
    %swap3A_41 = vector.load %arg5[%swap3A, %swap3A_40] : memref<8x128xf32, #tpu.memory_space<vmem>>, vector<1x128xf32>
    tpu.vector_store %arg5[%swap3A, %swap3A_40], %add3A_39 {strides = array<i32>} : memref<8x128xf32, #tpu.memory_space<vmem>>, vector<1x128xf32>,
    %get3A_42 = arith.constant 1 : index
    %get3A_43 = arith.constant 0 : index
    %get3A_44 = vector.load %arg5[%get3A_42, %get3A_43] : memref<8x128xf32, #tpu.memory_space<vmem>>, vector<1x128xf32>
    %mul3A_45 = arith.mulf %add3A_32, %add3A_32 : vector<1000x128xf32>
    %reduce_sum3A_46 = arith.constant dense<0.000000e+00> : vector<128xf32>
    %reduce_sum3A_47 = vector.multi_reduction <add>, %mul3A_45, %reduce_sum3A_46 [0] : vector<1000x128xf32> to vector<128xf32>
    %broadcast_in_dim3A_48 = vector.shape_cast %reduce_sum3A_47 : vector<128xf32> to vector<1x128xf32>
    %add3A_49 = arith.addf %get3A_44, %broadcast_in_dim3A_48 : vector<1x128xf32>
    %swap3A_50 = arith.constant 1 : index
    %swap3A_51 = arith.constant 0 : index
    %swap3A_52 = vector.load %arg5[%swap3A_50, %swap3A_51] : memref<8x128xf32, #tpu.memory_space<vmem>>, vector<1x128xf32>
    tpu.vector_store %arg5[%swap3A_50, %swap3A_51], %add3A_49 {strides = array<i32>} : memref<8x128xf32, #tpu.memory_space<vmem>>, vector<1x128xf32>,
    return
  }
  func.func @transform_0(%arg0: i32) -> (i32, i32, i32) {
    %c0_i32 = arith.constant 0 : i32
    %c0_i32_0 = arith.constant 0 : i32
    %c0_i32_1 = arith.constant 0 : i32
    return %c0_i32, %arg0, %c0_i32_0 : i32, i32, i32
  }
  func.func @transform_1(%arg0: i32) -> (i32, i32) {
    %c0_i32 = arith.constant 0 : i32
    %c0_i32_0 = arith.constant 0 : i32
    return %arg0, %c0_i32 : i32, i32
  }
  func.func @transform_2(%arg0: i32) -> (i32, i32, i32) {
    %c0_i32 = arith.constant 0 : i32
    %c0_i32_0 = arith.constant 0 : i32
    %c0_i32_1 = arith.constant 0 : i32
    return %c0_i32, %arg0, %c0_i32_0 : i32, i32, i32
  }
  func.func @transform_3(%arg0: i32) -> (i32, i32) {
    %c0_i32 = arith.constant 0 : i32
    %c0_i32_0 = arith.constant 0 : i32
    %c0_i32_1 = arith.constant 0 : i32
    return %c0_i32, %c0_i32_0 : i32, i32
  }
  func.func @transform_4(%arg0: i32) -> (i32, i32) {
    %c0_i32 = arith.constant 0 : i32
    %c0_i32_0 = arith.constant 0 : i32
    %c0_i32_1 = arith.constant 0 : i32
    return %c0_i32, %c0_i32_0 : i32, i32
  }
}

module attributes {stable_mosaic.version = 14 : i64} {
  func.func @_apply_body(%arg0: i32, %arg1: memref<2x1000x128xf32, #tpu.memory_space<vmem>>, %arg2: memref<1000x128xf32, #tpu.memory_space<vmem>>, %arg3: memref<2x1000x128xf32, #tpu.memory_space<vmem>>, %arg4: memref<1x128xf32, #tpu.memory_space<vmem>>, %arg5: memref<1x128xf32, #tpu.memory_space<vmem>>, %arg6: memref<1x128xf32, #tpu.memory_space<vmem>>, %arg7: memref<128x128xf32, #tpu.memory_space<vmem>>, %arg8: memref<8x128xf32, #tpu.memory_space<vmem>>, %arg9: memref<1000x128xf32, #tpu.memory_space<vmem>>) attributes {dimension_semantics = [#tpu.dimension_semantics<arbitrary>], iteration_bounds = array<i64: 10>, scalar_prefetch = 0 : i64, scratch_operands = 0 : i64, tpu.core_type = #tpu.core_type<tc>, window_params = [{transform_indices = @transform_0, window_bounds = array<i64: 2, 1000, 128>}, {transform_indices = @transform_1, window_bounds = array<i64: 1000, 128>}, {transform_indices = @transform_2, window_bounds = array<i64: 2, 1000, 128>}, {pipeline_mode = #tpu.pipeline_mode<synchronous>, transform_indices = @transform_3, window_bounds = array<i64: 1, 128>}, {pipeline_mode = #tpu.pipeline_mode<synchronous>, transform_indices = @transform_4, window_bounds = array<i64: 1, 128>}, {pipeline_mode = #tpu.pipeline_mode<synchronous>, transform_indices = @transform_5, window_bounds = array<i64: 1, 128>}, {pipeline_mode = #tpu.pipeline_mode<synchronous>, transform_indices = @transform_6, window_bounds = array<i64: 128, 128>}, {pipeline_mode = #tpu.pipeline_mode<synchronous>, transform_indices = @transform_7, window_bounds = array<i64: 8, 128>}, {transform_indices = @transform_8, window_bounds = array<i64: 1000, 128>}]} {
    %get3A = arith.constant 0 : index
    %get3A_0 = arith.constant 0 : index
    %get3A_1 = arith.constant 0 : index
    %get3A_2 = vector.load %arg1[%get3A, %get3A_0, %get3A_1] : memref<2x1000x128xf32, #tpu.memory_space<vmem>>, vector<1x1000x128xf32>
    %get3A_3 = vector.shape_cast %get3A_2 : vector<1x1000x128xf32> to vector<1000x128xf32>
    %get3A_4 = arith.constant 0 : index
    %get3A_5 = arith.constant 0 : index
    %get3A_6 = vector.load %arg2[%get3A_4, %get3A_5] : memref<1000x128xf32, #tpu.memory_space<vmem>>, vector<1000x128xf32>
    %add3A = arith.addf %get3A_3, %get3A_6 : vector<1000x128xf32>
    %get3A_7 = arith.constant 1 : index
    %get3A_8 = arith.constant 0 : index
    %get3A_9 = arith.constant 0 : index
    %get3A_10 = vector.load %arg1[%get3A_7, %get3A_8, %get3A_9] : memref<2x1000x128xf32, #tpu.memory_space<vmem>>, vector<1x1000x128xf32>
    %get3A_11 = vector.shape_cast %get3A_10 : vector<1x1000x128xf32> to vector<1000x128xf32>
    %add3A_12 = arith.addf %add3A, %get3A_11 : vector<1000x128xf32>
    %get3A_13 = arith.constant 0 : index
    %get3A_14 = arith.constant 0 : index
    %get3A_15 = arith.constant 0 : index
    %get3A_16 = vector.load %arg3[%get3A_13, %get3A_14, %get3A_15] : memref<2x1000x128xf32, #tpu.memory_space<vmem>>, vector<1x1000x1xf32>
    %get3A_17 = vector.shape_cast %get3A_16 : vector<1x1000x1xf32> to vector<1000x1xf32>
    %add3A_18 = arith.constant 1.000000e+00 : f32
    %add3A_19 = vector.broadcast %add3A_18 : f32 to vector<1000x1xf32>
    %add3A_20 = arith.addf %add3A_19, %get3A_17 : vector<1000x1xf32>
    %get3A_21 = arith.constant 1 : index
    %get3A_22 = arith.constant 0 : index
    %get3A_23 = arith.constant 0 : index
    %get3A_24 = vector.load %arg3[%get3A_21, %get3A_22, %get3A_23] : memref<2x1000x128xf32, #tpu.memory_space<vmem>>, vector<1x1000x1xf32>
    %get3A_25 = vector.shape_cast %get3A_24 : vector<1x1000x1xf32> to vector<1000x1xf32>
    %add3A_26 = arith.addf %add3A_20, %get3A_25 : vector<1000x1xf32>
    %rsqrt3A = math.rsqrt %add3A_26 : vector<1000x1xf32>
    %mul3A = vector.broadcast %rsqrt3A : vector<1000x1xf32> to vector<1000x128xf32>
    %mul3A_27 = arith.mulf %add3A_12, %mul3A : vector<1000x128xf32>
    %get3A_28 = arith.constant 0 : index
    %get3A_29 = arith.constant 0 : index
    %get3A_30 = vector.load %arg4[%get3A_28, %get3A_29] : memref<1x128xf32, #tpu.memory_space<vmem>>, vector<1x128xf32>
    %add3A_31 = vector.broadcast %get3A_30 : vector<1x128xf32> to vector<1000x128xf32>
    %add3A_32 = arith.addf %mul3A_27, %add3A_31 : vector<1000x128xf32>
    %get3A_33 = arith.constant 0 : index
    %get3A_34 = arith.constant 0 : index
    %get3A_35 = vector.load %arg8[%get3A_33, %get3A_34] : memref<8x128xf32, #tpu.memory_space<vmem>>, vector<1x128xf32>
    %mul3A_36 = arith.constant 9.99999974E-5 : f32
    %mul3A_37 = vector.broadcast %mul3A_36 : f32 to vector<1x128xf32>
    %mul3A_38 = arith.mulf %get3A_35, %mul3A_37 : vector<1x128xf32>
    %get3A_39 = arith.constant 1 : index
    %get3A_40 = arith.constant 0 : index
    %get3A_41 = vector.load %arg8[%get3A_39, %get3A_40] : memref<8x128xf32, #tpu.memory_space<vmem>>, vector<1x128xf32>
    %mul3A_42 = arith.constant 9.99999974E-5 : f32
    %mul3A_43 = vector.broadcast %mul3A_42 : f32 to vector<1x128xf32>
    %mul3A_44 = arith.mulf %get3A_41, %mul3A_43 : vector<1x128xf32>
    %mul3A_45 = arith.mulf %mul3A_38, %mul3A_38 : vector<1x128xf32>
    %sub3A = arith.subf %mul3A_44, %mul3A_45 : vector<1x128xf32>
    %sub3A_46 = vector.broadcast %mul3A_38 : vector<1x128xf32> to vector<1000x128xf32>
    %sub3A_47 = arith.subf %add3A_32, %sub3A_46 : vector<1000x128xf32>
    %add3A_48 = arith.constant 9.99999974E-6 : f32
    %add3A_49 = vector.broadcast %add3A_48 : f32 to vector<1x128xf32>
    %add3A_50 = arith.addf %sub3A, %add3A_49 : vector<1x128xf32>
    %rsqrt3A_51 = math.rsqrt %add3A_50 : vector<1x128xf32>
    %mul3A_52 = vector.broadcast %rsqrt3A_51 : vector<1x128xf32> to vector<1000x128xf32>
    %mul3A_53 = arith.mulf %sub3A_47, %mul3A_52 : vector<1000x128xf32>
    %get3A_54 = arith.constant 0 : index
    %get3A_55 = arith.constant 0 : index
    %get3A_56 = vector.load %arg5[%get3A_54, %get3A_55] : memref<1x128xf32, #tpu.memory_space<vmem>>, vector<1x128xf32>
    %mul3A_57 = vector.broadcast %get3A_56 : vector<1x128xf32> to vector<1000x128xf32>
    %mul3A_58 = arith.mulf %mul3A_53, %mul3A_57 : vector<1000x128xf32>
    %get3A_59 = arith.constant 0 : index
    %get3A_60 = arith.constant 0 : index
    %get3A_61 = vector.load %arg6[%get3A_59, %get3A_60] : memref<1x128xf32, #tpu.memory_space<vmem>>, vector<1x128xf32>
    %add3A_62 = vector.broadcast %get3A_61 : vector<1x128xf32> to vector<1000x128xf32>
    %add3A_63 = arith.addf %mul3A_58, %add3A_62 : vector<1000x128xf32>
    %max3A = arith.constant 0.000000e+00 : f32
    %max3A_64 = vector.broadcast %max3A : f32 to vector<1000x128xf32>
    %max3A_65 = arith.maximumf %add3A_63, %max3A_64 : vector<1000x128xf32>
    %get3A_66 = arith.constant 0 : index
    %get3A_67 = arith.constant 0 : index
    %get3A_68 = vector.load %arg7[%get3A_66, %get3A_67] : memref<128x128xf32, #tpu.memory_space<vmem>>, vector<128x128xf32>
    %dot_general3A = arith.constant dense<0.000000e+00> : vector<1000x128xf32>
    %dot_general3A_69 = tpu.matmul %max3A_65, %get3A_68, %dot_general3A {dimension_numbers = #tpu.dot_dimension_numbers<[1], [0], [0], [1], [0, 0, 1, 1], [], []>, transpose_lhs_hint = false} : vector<1000x128xf32>, vector<128x128xf32>, vector<1000x128xf32> -> vector<1000x128xf32>
    %get3A_70 = arith.constant 0 : index
    %get3A_71 = arith.constant 0 : index
    %get3A_72 = arith.constant 0 : index
    %get3A_73 = vector.load %arg3[%get3A_70, %get3A_71, %get3A_72] : memref<2x1000x128xf32, #tpu.memory_space<vmem>>, vector<1x1000x1xf32>
    %get3A_74 = vector.shape_cast %get3A_73 : vector<1x1000x1xf32> to vector<1000x1xf32>
    %add3A_75 = arith.constant 1.000000e+00 : f32
    %add3A_76 = vector.broadcast %add3A_75 : f32 to vector<1000x1xf32>
    %add3A_77 = arith.addf %add3A_76, %get3A_74 : vector<1000x1xf32>
    %get3A_78 = arith.constant 1 : index
    %get3A_79 = arith.constant 0 : index
    %get3A_80 = arith.constant 0 : index
    %get3A_81 = vector.load %arg3[%get3A_78, %get3A_79, %get3A_80] : memref<2x1000x128xf32, #tpu.memory_space<vmem>>, vector<1x1000x1xf32>
    %get3A_82 = vector.shape_cast %get3A_81 : vector<1x1000x1xf32> to vector<1000x1xf32>
    %add3A_83 = arith.addf %add3A_77, %get3A_82 : vector<1000x1xf32>
    %rsqrt3A_84 = math.rsqrt %add3A_83 : vector<1000x1xf32>
    %mul3A_85 = vector.broadcast %rsqrt3A_84 : vector<1000x1xf32> to vector<1000x128xf32>
    %mul3A_86 = arith.mulf %dot_general3A_69, %mul3A_85 : vector<1000x128xf32>
    %swap3A = arith.constant 0 : index
    %swap3A_87 = arith.constant 0 : index
    %swap3A_88 = vector.load %arg9[%swap3A, %swap3A_87] : memref<1000x128xf32, #tpu.memory_space<vmem>>, vector<1000x128xf32>
    tpu.vector_store %arg9[%swap3A, %swap3A_87], %mul3A_86 {strides = array<i32>} : memref<1000x128xf32, #tpu.memory_space<vmem>>, vector<1000x128xf32>,
    return
  }
  func.func @transform_0(%arg0: i32) -> (i32, i32, i32) {
    %c0_i32 = arith.constant 0 : i32
    %c0_i32_0 = arith.constant 0 : i32
    %c0_i32_1 = arith.constant 0 : i32
    return %c0_i32, %arg0, %c0_i32_0 : i32, i32, i32
  }
  func.func @transform_1(%arg0: i32) -> (i32, i32) {
    %c0_i32 = arith.constant 0 : i32
    %c0_i32_0 = arith.constant 0 : i32
    return %arg0, %c0_i32 : i32, i32
  }
  func.func @transform_2(%arg0: i32) -> (i32, i32, i32) {
    %c0_i32 = arith.constant 0 : i32
    %c0_i32_0 = arith.constant 0 : i32
    %c0_i32_1 = arith.constant 0 : i32
    return %c0_i32, %arg0, %c0_i32_0 : i32, i32, i32
  }
  func.func @transform_3(%arg0: i32) -> (i32, i32) {
    %c0_i32 = arith.constant 0 : i32
    %c0_i32_0 = arith.constant 0 : i32
    %c0_i32_1 = arith.constant 0 : i32
    return %c0_i32, %c0_i32_0 : i32, i32
  }
  func.func @transform_4(%arg0: i32) -> (i32, i32) {
    %c0_i32 = arith.constant 0 : i32
    %c0_i32_0 = arith.constant 0 : i32
    %c0_i32_1 = arith.constant 0 : i32
    return %c0_i32, %c0_i32_0 : i32, i32
  }
  func.func @transform_5(%arg0: i32) -> (i32, i32) {
    %c0_i32 = arith.constant 0 : i32
    %c0_i32_0 = arith.constant 0 : i32
    %c0_i32_1 = arith.constant 0 : i32
    return %c0_i32, %c0_i32_0 : i32, i32
  }
  func.func @transform_6(%arg0: i32) -> (i32, i32) {
    %c0_i32 = arith.constant 0 : i32
    %c0_i32_0 = arith.constant 0 : i32
    %c0_i32_1 = arith.constant 0 : i32
    return %c0_i32, %c0_i32_0 : i32, i32
  }
  func.func @transform_7(%arg0: i32) -> (i32, i32) {
    %c0_i32 = arith.constant 0 : i32
    %c0_i32_0 = arith.constant 0 : i32
    %c0_i32_1 = arith.constant 0 : i32
    return %c0_i32, %c0_i32_0 : i32, i32
  }
  func.func @transform_8(%arg0: i32) -> (i32, i32) {
    %c0_i32 = arith.constant 0 : i32
    %c0_i32_0 = arith.constant 0 : i32
    return %arg0, %c0_i32 : i32, i32
  }
}

module attributes {stable_mosaic.version = 14 : i64} {
  func.func @_final_body(%arg0: i32, %arg1: memref<2x1000x128xf32, #tpu.memory_space<vmem>>, %arg2: memref<1000x128xf32, #tpu.memory_space<vmem>>, %arg3: memref<2x1000x128xf32, #tpu.memory_space<vmem>>, %arg4: memref<1x128xf32, #tpu.memory_space<vmem>>, %arg5: memref<128x128xf32, #tpu.memory_space<vmem>>, %arg6: memref<1x128xf32, #tpu.memory_space<vmem>>, %arg7: memref<1000x128xf32, #tpu.memory_space<vmem>>) attributes {dimension_semantics = [#tpu.dimension_semantics<arbitrary>], iteration_bounds = array<i64: 10>, scalar_prefetch = 0 : i64, scratch_operands = 0 : i64, tpu.core_type = #tpu.core_type<tc>, window_params = [{transform_indices = @transform_0, window_bounds = array<i64: 2, 1000, 128>}, {transform_indices = @transform_1, window_bounds = array<i64: 1000, 128>}, {transform_indices = @transform_2, window_bounds = array<i64: 2, 1000, 128>}, {pipeline_mode = #tpu.pipeline_mode<synchronous>, transform_indices = @transform_3, window_bounds = array<i64: 1, 128>}, {pipeline_mode = #tpu.pipeline_mode<synchronous>, transform_indices = @transform_4, window_bounds = array<i64: 128, 128>}, {pipeline_mode = #tpu.pipeline_mode<synchronous>, transform_indices = @transform_5, window_bounds = array<i64: 1, 128>}, {transform_indices = @transform_6, window_bounds = array<i64: 1000, 128>}]} {
    %get3A = arith.constant 0 : index
    %get3A_0 = arith.constant 0 : index
    %get3A_1 = arith.constant 0 : index
    %get3A_2 = vector.load %arg1[%get3A, %get3A_0, %get3A_1] : memref<2x1000x128xf32, #tpu.memory_space<vmem>>, vector<1x1000x128xf32>
    %get3A_3 = vector.shape_cast %get3A_2 : vector<1x1000x128xf32> to vector<1000x128xf32>
    %get3A_4 = arith.constant 0 : index
    %get3A_5 = arith.constant 0 : index
    %get3A_6 = vector.load %arg2[%get3A_4, %get3A_5] : memref<1000x128xf32, #tpu.memory_space<vmem>>, vector<1000x128xf32>
    %add3A = arith.addf %get3A_3, %get3A_6 : vector<1000x128xf32>
    %get3A_7 = arith.constant 1 : index
    %get3A_8 = arith.constant 0 : index
    %get3A_9 = arith.constant 0 : index
    %get3A_10 = vector.load %arg1[%get3A_7, %get3A_8, %get3A_9] : memref<2x1000x128xf32, #tpu.memory_space<vmem>>, vector<1x1000x128xf32>
    %get3A_11 = vector.shape_cast %get3A_10 : vector<1x1000x128xf32> to vector<1000x128xf32>
    %add3A_12 = arith.addf %add3A, %get3A_11 : vector<1000x128xf32>
    %get3A_13 = arith.constant 0 : index
    %get3A_14 = arith.constant 0 : index
    %get3A_15 = arith.constant 0 : index
    %get3A_16 = vector.load %arg3[%get3A_13, %get3A_14, %get3A_15] : memref<2x1000x128xf32, #tpu.memory_space<vmem>>, vector<1x1000x1xf32>
    %get3A_17 = vector.shape_cast %get3A_16 : vector<1x1000x1xf32> to vector<1000x1xf32>
    %add3A_18 = arith.constant 1.000000e+00 : f32
    %add3A_19 = vector.broadcast %add3A_18 : f32 to vector<1000x1xf32>
    %add3A_20 = arith.addf %add3A_19, %get3A_17 : vector<1000x1xf32>
    %get3A_21 = arith.constant 1 : index
    %get3A_22 = arith.constant 0 : index
    %get3A_23 = arith.constant 0 : index
    %get3A_24 = vector.load %arg3[%get3A_21, %get3A_22, %get3A_23] : memref<2x1000x128xf32, #tpu.memory_space<vmem>>, vector<1x1000x1xf32>
    %get3A_25 = vector.shape_cast %get3A_24 : vector<1x1000x1xf32> to vector<1000x1xf32>
    %add3A_26 = arith.addf %add3A_20, %get3A_25 : vector<1000x1xf32>
    %rsqrt3A = math.rsqrt %add3A_26 : vector<1000x1xf32>
    %mul3A = vector.broadcast %rsqrt3A : vector<1000x1xf32> to vector<1000x128xf32>
    %mul3A_27 = arith.mulf %add3A_12, %mul3A : vector<1000x128xf32>
    %get3A_28 = arith.constant 0 : index
    %get3A_29 = arith.constant 0 : index
    %get3A_30 = vector.load %arg4[%get3A_28, %get3A_29] : memref<1x128xf32, #tpu.memory_space<vmem>>, vector<1x128xf32>
    %add3A_31 = vector.broadcast %get3A_30 : vector<1x128xf32> to vector<1000x128xf32>
    %add3A_32 = arith.addf %mul3A_27, %add3A_31 : vector<1000x128xf32>
    %get3A_33 = arith.constant 0 : index
    %get3A_34 = arith.constant 0 : index
    %get3A_35 = vector.load %arg5[%get3A_33, %get3A_34] : memref<128x128xf32, #tpu.memory_space<vmem>>, vector<128x128xf32>
    %dot_general3A = arith.constant dense<0.000000e+00> : vector<1000x128xf32>
    %dot_general3A_36 = tpu.matmul %add3A_32, %get3A_35, %dot_general3A {dimension_numbers = #tpu.dot_dimension_numbers<[1], [0], [0], [1], [0, 0, 1, 1], [], []>, transpose_lhs_hint = false} : vector<1000x128xf32>, vector<128x128xf32>, vector<1000x128xf32> -> vector<1000x128xf32>
    %get3A_37 = arith.constant 0 : index
    %get3A_38 = arith.constant 0 : index
    %get3A_39 = vector.load %arg6[%get3A_37, %get3A_38] : memref<1x128xf32, #tpu.memory_space<vmem>>, vector<1x128xf32>
    %add3A_40 = vector.broadcast %get3A_39 : vector<1x128xf32> to vector<1000x128xf32>
    %add3A_41 = arith.addf %dot_general3A_36, %add3A_40 : vector<1000x128xf32>
    %reduce_max3A = arith.constant dense<0xFF800000> : vector<1000xf32>
    %reduce_max3A_42 = vector.multi_reduction <maximumf>, %add3A_41, %reduce_max3A [1] : vector<1000x128xf32> to vector<1000xf32>
    %broadcast_in_dim3A = vector.shape_cast %reduce_max3A_42 : vector<1000xf32> to vector<1000x1xf32>
    %sub3A = vector.broadcast %broadcast_in_dim3A : vector<1000x1xf32> to vector<1000x128xf32>
    %sub3A_43 = arith.subf %add3A_41, %sub3A : vector<1000x128xf32>
    %exp3A = math.exp %sub3A_43 : vector<1000x128xf32>
    %reduce_sum3A = arith.constant dense<0.000000e+00> : vector<1000xf32>
    %reduce_sum3A_44 = vector.multi_reduction <add>, %exp3A, %reduce_sum3A [1] : vector<1000x128xf32> to vector<1000xf32>
    %broadcast_in_dim3A_45 = vector.shape_cast %reduce_sum3A_44 : vector<1000xf32> to vector<1000x1xf32>
    %log3A = math.log %broadcast_in_dim3A_45 : vector<1000x1xf32>
    %sub3A_46 = vector.broadcast %log3A : vector<1000x1xf32> to vector<1000x128xf32>
    %sub3A_47 = arith.subf %sub3A_43, %sub3A_46 : vector<1000x128xf32>
    %swap3A = arith.constant 0 : index
    %swap3A_48 = arith.constant 0 : index
    %swap3A_49 = vector.load %arg7[%swap3A, %swap3A_48] : memref<1000x128xf32, #tpu.memory_space<vmem>>, vector<1000x128xf32>
    tpu.vector_store %arg7[%swap3A, %swap3A_48], %sub3A_47 {strides = array<i32>} : memref<1000x128xf32, #tpu.memory_space<vmem>>, vector<1000x128xf32>,
    return
  }
  func.func @transform_0(%arg0: i32) -> (i32, i32, i32) {
    %c0_i32 = arith.constant 0 : i32
    %c0_i32_0 = arith.constant 0 : i32
    %c0_i32_1 = arith.constant 0 : i32
    return %c0_i32, %arg0, %c0_i32_0 : i32, i32, i32
  }
  func.func @transform_1(%arg0: i32) -> (i32, i32) {
    %c0_i32 = arith.constant 0 : i32
    %c0_i32_0 = arith.constant 0 : i32
    return %arg0, %c0_i32 : i32, i32
  }
  func.func @transform_2(%arg0: i32) -> (i32, i32, i32) {
    %c0_i32 = arith.constant 0 : i32
    %c0_i32_0 = arith.constant 0 : i32
    %c0_i32_1 = arith.constant 0 : i32
    return %c0_i32, %arg0, %c0_i32_0 : i32, i32, i32
  }
  func.func @transform_3(%arg0: i32) -> (i32, i32) {
    %c0_i32 = arith.constant 0 : i32
    %c0_i32_0 = arith.constant 0 : i32
    %c0_i32_1 = arith.constant 0 : i32
    return %c0_i32, %c0_i32_0 : i32, i32
  }
  func.func @transform_4(%arg0: i32) -> (i32, i32) {
    %c0_i32 = arith.constant 0 : i32
    %c0_i32_0 = arith.constant 0 : i32
    %c0_i32_1 = arith.constant 0 : i32
    return %c0_i32, %c0_i32_0 : i32, i32
  }
  func.func @transform_5(%arg0: i32) -> (i32, i32) {
    %c0_i32 = arith.constant 0 : i32
    %c0_i32_0 = arith.constant 0 : i32
    %c0_i32_1 = arith.constant 0 : i32
    return %c0_i32, %c0_i32_0 : i32, i32
  }
  func.func @transform_6(%arg0: i32) -> (i32, i32) {
    %c0_i32 = arith.constant 0 : i32
    %c0_i32_0 = arith.constant 0 : i32
    return %arg0, %c0_i32 : i32, i32
  }
}

</mosaic_0001>

<sc_bundles>
// kernel: kernel.10.cloned.1.call-start
scs
__scs_entry_jumppad:
0x0: {  	(pc) =	sbr.rel $0x88, $3  }
0x1: {  	(tag) =	ssettag $0x0;
	lr =	simm.s32 $0x1  }
0x2: {  	[smem:$0x3F97] =	sst lr;
	_ =	strace $0xD0000000  }
0x3: {  	_ = 	snop  }
0x4: {  	_ = 	snop  }
0x5: {  	_ = 	snop  }
0x6: {  	_ = 	snop  }
0x7: {  	_ = 	snop  }
__scs_overlays_trampoline_lowered:
0x8: {  	[smem:$0x3FA6] =	sst s0  }
0x9: {  	[smem:$0x3FA7] =	sst s1  }
0xa: {  	[smem:$0x3FA8] =	sst s2  }
0xb: {  	[smem:$0x3FA9] =	sst s3  }
0xc: {  	[smem:$0x3FAA] =	sst s4  }
0xd: {  	[smem:$0x3FAB] =	sst s5  }
0xe: {  	[smem:$0x3FAC] =	sst s6  }
0xf: {  	[smem:$0x3FAD] =	sst s7  }
0x10: {  	[smem:$0x3FAE] =	sst s8  }
0x11: {  	[smem:$0x3FAF] =	sst s9;
	s0 =	simm.s32 @!p0 $0x0  }
0x12: {  	s1 =	sld [smem:$0x3F95];
	s0 =	simm.s32 @p0 $0x1  }
0x13: {  	[smem:$0x3FB0] =	sst s0;
	s0 =	simm.s32 @!p1 $0x0  }
0x14: {  	s2 =	sld [smem:$0x3F94];
	s0 =	simm.s32 @p1 $0x1  }
0x15: {  	[smem:$0x3FB1] =	sst s0;
	s0 =	simm.s32 @!p2 $0x0  }
0x16: {  	s3 =	sld [smem:$0x3FDB];
	s0 =	simm.s32 @p2 $0x1  }
0x17: {  	s4 =	simm.s32 $0x1BF5;
	[smem:$0x3FB3] =	sst s0  }
0x18: {  	s0 =	sld [smem:$0x3F96];
	_ =	swait.ge [sflag:s4], $0x0  }
0x19: {  	s7 =	sld [smem:$0x3F97]  }
0x1a: {  	s8 =	sadd.s32 $0xFFFFE003, lr  }
0x1b: {  	s9 =	sadd.s32 $0xFFFFFEF7, lr;
	s5 =	simm.s32 $0xFFFFFFFF;
	p2 =	slt.u32 s8, $0xFFFFF086  }
0x1c: {  	p1 =	slt.u32 s9, $0xF7A;
	s5 =	simm.s32 @!p2 $0x0  }
0x1d: {  	s5 =	simm.s32 @p1 $0x1;
	p0 =	seq.s32 s7, s2  }
0x1e: {  	s7 =	smul.u32 @!p0 $0xF7A, s2;
	p2 =	seq.s32 @!p0 s5, $0x0  }
0x1f: {  	s9 =	smul.u32 $0xF7A, s1;
	s8 =	simm.s32 @!p0 $0x1BF5;
	p2 =	por !p2, p0  }
0x20: {  	[sflag:s8] =	ssyncset.s32 @!p0 $0xFFFFF086;
	s6 =	sadd.s32 @!p0 s3, s7;
	s7 =	simm.s32 @!p0 $0x108  }
0x21: {  	s3 =	sadd.s32 s3, s9;
	s6 =	sadd.s32 @!p0 $0x88, s6;
	s7 =	simm.s32 @p2 $0x1082  }
0x22: {  	[simem:s7], [sflag:s8] =	dma.local @!p0 [hbm:s6], $0xF7A  }
0x23: {  	s9 =	sor.u32 $0xD0000000, s2;
	s6 =	simm.s32 $0x108;
	_ =	swait.ge @!p0 [sflag:s8], $0x0  }
0x24: {  	s3 =	sadd.s32 $0x88, s3;
	s6 =	simm.s32 @!p1 $0x1082;
	[sflag:s4] =	ssyncset.s32 $0xFFFFF086  }
0x25: {  	[simem:s6], [sflag:s4] =	dma.local [hbm:s3], $0xF7A  }
0x26: {  	[smem:$0x3F97] =	sst s1;
	(tag) =	ssettag s2;
	_ =	strace s9  }
0x27: {  	s1 =	sld [smem:$0x3FA7]  }
0x28: {  	s2 =	sld [smem:$0x3FA8]  }
0x29: {  	s4 =	sld [smem:$0x3FAA]  }
0x2a: {  	p0 =	seq.s32 s5, $0x0;
	s5 =	sld [smem:$0x3FAB]  }
0x2b: {  	s6 =	sld [smem:$0x3FAC]  }
0x2c: {  	s7 =	sld [smem:$0x3FAD]  }
0x2d: {  	s3 =	simm.s32 $0x108;
	s8 =	sld [smem:$0x3FAE]  }
0x2e: {  	s3 =	simm.s32 @!p0 $0x1082;
	s9 =	sld [smem:$0x3FAF]  }
0x2f: {  	lr =	sadd.s32 s0, s3;
	s0 =	sld [smem:$0x3FA6]  }
0x30: {  	s3 =	sld [smem:$0x3FA9]  }
0x31: {  	[smem:$0x3FB2] =	sst s10  }
0x32: {  	s10 =	sld [smem:$0x3FB0];
	_ =	sdelay $0x3  }
0x33: {  	p0 =	seq.s32 s10, $0x1;
	s10 =	sld [smem:$0x3FB2];
	_ =	sdelay $0x3  }
0x34: {  	[smem:$0x3FB2] =	sst s10  }
0x35: {  	s10 =	sld [smem:$0x3FB1];
	_ =	sdelay $0x3  }
0x36: {  	p1 =	seq.s32 s10, $0x1;
	s10 =	sld [smem:$0x3FB2];
	_ =	sdelay $0x3  }
0x37: {  	[smem:$0x3FB2] =	sst s10  }
0x38: {  	s10 =	sld [smem:$0x3FB3]  }
0x39: {  	_ = 	snop;
	(pc) =	sbr.ind lr, $3  }
0x3a: {  	_ = 	snop  }
0x3b: {  	_ = 	snop  }
0x3c: {  	p2 =	seq.s32 s10, $0x1;
	s10 =	sld [smem:$0x3FB2]  }
0x3d: {  	_ =	shalt  }
0x3e: {  	_ =	shalt  }
0x3f: {  	_ =	shalt  }
0x40: {  	_ =	shalt  }
0x41: {  	_ =	shalt  }
0x42: {  	_ =	shalt  }
0x43: {  	_ =	shalt  }
0x44: {  	_ =	shalt  }
0x45: {  	_ =	shalt  }
0x46: {  	_ =	shalt  }
0x47: {  	_ =	shalt  }
0x48: {  	_ =	shalt  }
0x49: {  	_ =	shalt  }
0x4a: {  	_ =	shalt  }
0x4b: {  	_ =	shalt  }
0x4c: {  	_ =	shalt  }
0x4d: {  	_ =	shalt  }
0x4e: {  	_ =	shalt  }
0x4f: {  	_ =	shalt  }
0x50: {  	_ =	shalt  }
0x51: {  	_ =	shalt  }
0x52: {  	_ =	shalt  }
0x53: {  	_ =	shalt  }
0x54: {  	_ =	shalt  }
0x55: {  	_ =	shalt  }
0x56: {  	_ =	shalt  }
0x57: {  	_ =	shalt  }
0x58: {  	_ =	shalt  }
0x59: {  	_ =	shalt  }
0x5a: {  	_ =	shalt  }
0x5b: {  	_ =	shalt  }
0x5c: {  	_ =	shalt  }
0x5d: {  	_ =	shalt  }
0x5e: {  	_ =	shalt  }
0x5f: {  	_ =	shalt  }
0x60: {  	_ =	shalt  }
0x61: {  	_ =	shalt  }
0x62: {  	_ =	shalt  }
0x63: {  	_ =	shalt  }
0x64: {  	_ =	shalt  }
0x65: {  	_ =	shalt  }
0x66: {  	_ =	shalt  }
0x67: {  	_ =	shalt  }
0x68: {  	_ =	shalt  }
0x69: {  	_ =	shalt  }
0x6a: {  	_ =	shalt  }
0x6b: {  	_ =	shalt  }
0x6c: {  	_ =	shalt  }
0x6d: {  	_ =	shalt  }
0x6e: {  	_ =	shalt  }
0x6f: {  	_ =	shalt  }
0x70: {  	_ =	shalt  }
0x71: {  	_ =	shalt  }
0x72: {  	_ =	shalt  }
0x73: {  	_ =	shalt  }
0x74: {  	_ =	shalt  }
0x75: {  	_ =	shalt  }
0x76: {  	_ =	shalt  }
0x77: {  	_ =	shalt  }
0x78: {  	_ =	shalt  }
0x79: {  	_ =	shalt  }
0x7a: {  	_ =	shalt  }
0x7b: {  	_ =	shalt  }
0x7c: {  	_ =	shalt  }
0x7d: {  	_ =	shalt  }
0x7e: {  	_ =	shalt  }
0x7f: {  	_ =	shalt  }
0x80: {  	_ =	shalt  }
0x81: {  	_ =	shalt  }
0x82: {  	_ =	shalt  }
0x83: {  	_ =	shalt  }
0x84: {  	_ =	shalt  }
0x85: {  	_ =	shalt  }
0x86: {  	_ =	shalt  }
0x87: {  	_ =	shalt  }
.Lfunc_end0:
.L_simem_size_0:
called_computation_lowered:
.L_overlay_start_0:
0x88: {  	s2 =	sld [smem:$0x3FD9]  }
0x89: {  	s3 =	sld [smem:$0x3FFE];
	_ =	sdelay $0x1  }
0x8a: {  	s1 =	srdreg.scid  }
0x8b: {  	s0 =	sand.u32 $0x1, s1  }
0x8c: {  	s17 =	sshll.u32 s0, $0xA;
	s2 =	sadd.s32 s3, s2  }
0x8d: {  	s2 =	sadd.s32 s2, s17  }
0x8e: {  	[smem:$0x3FBE] =	sst s2  }
0x8f: {  	_ = 	snop  }
0x90: {  	s2 =	sld [smem:$0x3FD0];
	(tm) =	ssettm $0x1  }
0x91: {  	s18 =	sld [smem:$0x3FFB];
	_ =	sdelay $0x3  }
0x92: {  	_ =	strace s18  }
0x93: {  	s3 =	sld [smem:$0x3FFC];
	_ =	sdelay $0x3  }
0x94: {  	_ =	strace s3  }
0x95: {  	s3 =	sld [smem:$0x3FFD];
	_ =	sdelay $0x3  }
0x96: {  	_ =	strace s3  }
0x97: {  	_ =	strace $0x8FFFFFFF  }
0x98: {  	s19 =	sld [smem:$0x3FDB];
	_ =	sdelay $0x1  }
0x99: {  	s4 =	simm.s32 $_scs_section_size  }
0x9a: {  	s5 =	simm.s32 $_size__tile_overlayer_lowered;
	s6 =	simm.s32 $_tile_overlayer_lowered  }
0x9b: {  	s22 =	simm.s32 $0x1BFF;
	s21 =	sshll.u32 s6, $0x1;
	s3 =	sadd.s32 s4, s19  }
0x9c: {  	s7 =	simm.s32 $0x0;
	s20 =	sshll.u32 s5, $0x1;
	s5 =	sadd.s32 s21, s3  }
0x9d: {  	[timem:s7], [sflag:s22] =	dma.local [hbm:s5], s20  }
0x9e: {  	_ =	swait.ge [sflag:s22], s20  }
0x9f: {  	s4 =	ssub.s32 $0x0, s20;
	[sflag:s22] =	ssyncset.done $0x0  }
0xa0: {  	[sflag:s22] =	ssyncadd.s32 s4;
	_ =	sdelay $0x1  }
0xa1: {  	s23 =	simm.s32 $0x1B8B  }
0xa2: {  	_ =	swait.ge [sflag:s23], $0x1  }
0xa3: {  	[sflag:s23] =	ssyncset.done $0x0  }
0xa4: {  	s25 =	simm.s32 $0x1B8E;
	s24 =	sld [smem:$0x3FFE];
	[sflag:s23] =	ssyncadd.s32 $0xFFFFFFFF  }
0xa5: {  	s26 =	simm.s32 $execute0_lowered;
	[smem:$0x3FD2] =	sst s25  }
0xa6: {  	s5 =	sshll.u32 s26, $0x1;
	_ =	strace $0x80000046;
	[dreg:$0x1] =	wrdreg $0xFFFFFFFF  }
0xa7: {  	s28 =	simm.s32 $_size_execute0_lowered;
	s3 =	sadd.s32 s3, s5;
	[dreg:$0x0] =	wrdreg $0x0  }
0xa8: {  	s5 =	sshll.u32 s28, $0x1;
	[dreg:$0x2] =	wrdreg s3  }
0xa9: {  	[dreg:$0x3] =	wrdreg s5  }
0xaa: {  	[dreg:$0x4] =	wrdreg $0xC0  }
0xab: {  	_ =	task [dreg:s7], $0x5FFFF  }
0xac: {  	[dreg:$0x1] =	wrdreg $0xFFFFFFFF  }
0xad: {  	[dreg:$0x0] =	wrdreg $0x60  }
0xae: {  	[dreg:$0x2] =	wrdreg s24  }
0xaf: {  	[dreg:$0x3] =	wrdreg s2  }
0xb0: {  	[dreg:$0x4] =	wrdreg $0x68000  }
0xb1: {  	[dreg:$0x5] =	wrdreg $0x9  }
0xb2: {  	_ =	task.clear_ibuf [dreg:s7], $0x6FFFF;
	_ =	strace $0x90000046  }
0xb3: {  	s29 =	simm.s32 $0x9;
	_ =	strace $0x80000048  }
0xb4: {  	_ =	swait.ge [sflag:s29], $0x1  }
0xb5: {  	[sflag:s29] =	ssyncadd.s32 $0xFFFFFFFF  }
0xb6: {  	_ =	strace $0x90000048  }
0xb7: {  	_ =	sfence  }
0xb8: {  	s30 =	sld [smem:$0x0];
	_ =	sdelay $0x2  }
0xb9: {  	s31 =	sshll.u32 s1, $0xD;
	s1 =	sshrl.u32 s1, $0x2  }
0xba: {  	s3 =	sand.u32 $0x4000, s31;
	s1 =	sadd.s32 s1, s30  }
0xbb: {  	s0 =	sor.u32 s3, s0;
	s1 =	sshll.u32 s1, $0x11  }
0xbc: {  	s0 =	sor.u32 s1, s0  }
0xbd: {  	s0 =	sadd.s32 $0x8F2B, s0  }
0xbe: {  	[sflag:s0] =	ssyncadd.remote.s32 $0x1  }
0xbf: {  	_ =	sfence.sel $0xFFFF  }
0xc0: {  	[dreg:$0x0] =	wrdreg $0xFFFFFFFF;
	(pc) =	sbr.abs _section_cstart, $3  }
0xc1: {  	[dreg:$0x1] =	wrdreg $0xFFFFFFFF  }
0xc2: {  	_ =	task.clear_ibuf [dreg:s7], $0x2FFFF;
	_ =	strace $0x9FFFFFFF  }
0xc3: {  	(tm) =	ssettm $0x7FFFFFFF  }
tec
execute0_lowered:
.L_overlay_start_1:
0x0: {  	(tag) =	ssettag $0x1  }
0x1: {  	s5 =	rddreg [dreg:$0x0]  }
0x2: {  	s1 =	srdreg.scid;
	s2 =	rddreg [dreg:$0x1]  }
0x3: {  	s0 =	stileid.u32;
	s3 =	rddreg [dreg:$0x2]  }
0x4: {  	s4 =	simm.s32 $0x0;
	s13 =	simm.s32 $0x80;
	s14 =	simm.s32 $0x0  }
0x5: {  	s6 =	sand.u32 $0x1, s1;
	s28 =	sshll.u32 s0, $0x1;
	s8 =	smul.u32 $0x13C00, s0  }
0x6: {  	[smem:$0x7FF] =	sst s4;
	s29 =	smul.u32 $0x4F000, s0;
	s31 =	sshll.u32 s0, $0x6  }
0x7: {  	s1 =	sor.u32 s6, s28;
	s9 =	smul.u32 $0x13C000, s6;
	s6 =	ssub.s32 $0x2, s6  }
0x8: {  	s7 =	smul.u32 $0x500, s1;
	s1 =	rddreg [dreg:$0x3];
	_ =	strace $0x80000047  }
0x9: {  	s10 =	sshrl.u32 s8, $0x3;
	s11 =	sshrl.u32 s6, $0x1;
	s30 =	sshrl.u32 s29, $0x2  }
0xa: {  	s8 =	sadd.s32 s8, s9;
	s10 =	sadd.s32 s10, s5;
	s11 =	ssub.s32 s6, s11  }
0xb: {  	s12 =	sadd.s32 s30, s3;
	s9 =	simm.s32 $0x1;
	s7 =	sadd.s32 s7, s5  }
0xc: {  	s8 =	sshrl.u32 s8, $0x3;
	s6 =	sadd.s32 $0xCC00, s10;
	s10 =	simm.s32 $0x2800  }
0xd: {  	s12 =	sshrl.u32 s12, $0x3;
	s8 =	sadd.s32 s8, s5;
	s5 =	sadd.s32 $0x2C00, s7  }
0xe: {  	s7 =	sadd.s32 $0x34400, s8;
	s8 =	smax.u32 s11, $0x1;
	s11 =	sor.u32 $0x1C01, s31  }
.LBB2_1:
0xf: {  	[tilespmem:s4], [sflag:$0x1] =	stream.linear.gather [hbm4b:s5+s4], $0x2780, $0x38;
	[tilespmem:$0x1A400] =	vst v63  }
0x10: {  	_ =	swait.ge [sflag:s9], $0x2780  }
0x11: {  	[sflag:s9] =	ssyncset.done $0x0  }
0x12: {  	[sflag:s9] =	ssyncadd.s32 $0xFFFFD880  }
0x13: {  	[tilespmem:s10], [sflag:$0x1] =	stream.linear.gather [hbm4b:s2+s4], $0x4000, $0x38;
	[tilespmem:$0x1A400] =	vst v63  }
0x14: {  	_ =	swait.ge [sflag:s9], $0x4000  }
0x15: {  	[sflag:s9] =	ssyncset.done $0x0  }
0x16: {  	[sflag:s9] =	ssyncadd.s32 $0xFFFFC000  }
0x17: {  	[spmem:s12], [sflag:s11] =	dma.local [hbm:s6], $0x2780  }
0x18: {  	_ =	swait.ge [sflag:s9], $0x2780  }
0x19: {  	[sflag:s9] =	ssyncset.done $0x0  }
0x1a: {  	[sflag:s9] =	ssyncadd.s32 $0xFFFFD880  }
0x1b: {  	s15 =	simm.s32 $0x0;
	[bflag:$0x0] =	sbarrier.arrive $0xFFFF  }
0x1c: {  	[spmem:s3] =	stream.indirect.scatter.add.f32 [tilespmem:s10], [sflag:$0x1], $0x80, s15, s13, $0xb8;
	[tilespmem:$0x1A400] =	vst v63  }
0x1d: {  	_ =	swait.ge [sflag:s9], $0x4000  }
0x1e: {  	s15 =	simm.s32 $0x200;
	[sflag:s9] =	ssyncset.done $0x0  }
.LBB2_2:
0x1f: {  	s16 =	sshra.s32 s15, $0x2;
	[sflag:s9] =	ssyncadd.s32 $0xFFFFC000;
	p0 =	sne.s32 s15, $0x9C00  }
0x20: {  	[spmem:s3] =	stream.indirect.scatter.add.f32 [tilespmem:s10], [sflag:$0x1], $0x80, s16, s13, $0xb8;
	[tilespmem:$0x1A400] =	vst v63  }
.Ltmp0:
0x21: {  	_ = 	snop;
	(pc) =	sbr.rel @p0 .LBB2_2-.Ltmp0, $4  }
0x22: {  	_ = 	snop  }
0x23: {  	s15 =	sadd.s32 $0x200, s15  }
0x24: {  	_ =	swait.ge [sflag:s9], $0x4000  }
0x25: {  	[sflag:s9] =	ssyncset.done $0x0  }
0x26: {  	s14 =	sadd.s32 $0x1, s14  }
0x27: {  	[sflag:s9] =	ssyncadd.s32 $0xFFFFC000;
	p0 =	sne.s32 s14, s8  }
.Ltmp1:
0x28: {  	[bflag:$0x0] =	sbarrier.arrive $0xFFFF;
	(pc) =	sbr.rel @p0 .LBB2_1-.Ltmp1, $4  }
0x29: {  	[hbm:s7], [sflag:s11] =	dma.local [spmem:s12], $0x2780  }
0x2a: {  	_ =	swait.ge [sflag:s9], $0x2780  }
0x2b: {  	[sflag:s9] =	ssyncset.done $0x0  }
0x2c: {  	[sflag:s9] =	ssyncadd.s32 $0xFFFFD880  }
0x2d: {  	_ =	sfence.sel $0x180000  }
0x2e: {  	[bflag:$0x0] =	sbarrier.arrive $0xFFFF  }
0x2f: {  	p0 =	sne.s32 s0, $0x0;
	_ =	strace $0x90000047  }
0x30: {  	s0 =	sadd.s32 @!p0 $0x100000, s1;
	[bflag:$0x2] =	sbarrier.arrive $0xFFFF  }
0x31: {  	[sflag:s0] =	ssyncadd.tile.s32 @!p0 $0x1;
	_ =	shalt  }
.Lfunc_end2:
_tile_overlayer_lowered:
.L_overlay_start_2:
0x32: {  	(tag) =	ssettag $0x2  }
0x33: {  	s0 =	rddreg [dreg:$0x0];
	s2 =	stileid.u32  }
0x34: {  	s1 =	rddreg [dreg:$0x1];
	p0 =	sne.s32 s2, $0x0  }
0x35: {  	s3 =	rddreg [dreg:$0x2];
	[bflag:$0x3] =	sbarrier.arrive $0xFFFF;
	s2 =	simm.s32 @!p0 $0x1C01  }
0x36: {  	[timem:s3], [sflag:s2] =	dma.local @!p0 [hbm:s0], s1  }
0x37: {  	s0 =	simm.s32 @!p0 $0x1  }
0x38: {  	_ =	swait.ge @!p0 [sflag:s0], s1  }
0x39: {  	s1 =	ssub.s32 @!p0 $0x0, s1;
	[sflag:s0] =	ssyncset.done @!p0 $0x0  }
0x3a: {  	[sflag:s0] =	ssyncadd.s32 @!p0 s1  }
0x3b: {  	[bflag:$0x3] =	sbarrier.arrive $0xFFFF  }
0x3c: {  	_ =	shalt  }

// kernel: kernel.13.cloned.1.call-start
scs
__scs_entry_jumppad:
0x0: {  	(pc) =	sbr.rel $0x88, $3  }
0x1: {  	(tag) =	ssettag $0x0;
	lr =	simm.s32 $0x1  }
0x2: {  	[smem:$0x3F97] =	sst lr;
	_ =	strace $0xD0000000  }
0x3: {  	_ = 	snop  }
0x4: {  	_ = 	snop  }
0x5: {  	_ = 	snop  }
0x6: {  	_ = 	snop  }
0x7: {  	_ = 	snop  }
__scs_overlays_trampoline_lowered:
0x8: {  	[smem:$0x3FA6] =	sst s0  }
0x9: {  	[smem:$0x3FA7] =	sst s1  }
0xa: {  	[smem:$0x3FA8] =	sst s2  }
0xb: {  	[smem:$0x3FA9] =	sst s3  }
0xc: {  	[smem:$0x3FAA] =	sst s4  }
0xd: {  	[smem:$0x3FAB] =	sst s5  }
0xe: {  	[smem:$0x3FAC] =	sst s6  }
0xf: {  	[smem:$0x3FAD] =	sst s7  }
0x10: {  	[smem:$0x3FAE] =	sst s8  }
0x11: {  	[smem:$0x3FAF] =	sst s9;
	s0 =	simm.s32 @!p0 $0x0  }
0x12: {  	s1 =	sld [smem:$0x3F95];
	s0 =	simm.s32 @p0 $0x1  }
0x13: {  	[smem:$0x3FB0] =	sst s0;
	s0 =	simm.s32 @!p1 $0x0  }
0x14: {  	s2 =	sld [smem:$0x3F94];
	s0 =	simm.s32 @p1 $0x1  }
0x15: {  	[smem:$0x3FB1] =	sst s0;
	s0 =	simm.s32 @!p2 $0x0  }
0x16: {  	s3 =	sld [smem:$0x3FDB];
	s0 =	simm.s32 @p2 $0x1  }
0x17: {  	s4 =	simm.s32 $0x1BF5;
	[smem:$0x3FB3] =	sst s0  }
0x18: {  	s0 =	sld [smem:$0x3F96];
	_ =	swait.ge [sflag:s4], $0x0  }
0x19: {  	s7 =	sld [smem:$0x3F97]  }
0x1a: {  	s8 =	sadd.s32 $0xFFFFE003, lr  }
0x1b: {  	s9 =	sadd.s32 $0xFFFFFEF7, lr;
	s5 =	simm.s32 $0xFFFFFFFF;
	p2 =	slt.u32 s8, $0xFFFFF086  }
0x1c: {  	p1 =	slt.u32 s9, $0xF7A;
	s5 =	simm.s32 @!p2 $0x0  }
0x1d: {  	s5 =	simm.s32 @p1 $0x1;
	p0 =	seq.s32 s7, s2  }
0x1e: {  	s7 =	smul.u32 @!p0 $0xF7A, s2;
	p2 =	seq.s32 @!p0 s5, $0x0  }
0x1f: {  	s9 =	smul.u32 $0xF7A, s1;
	s8 =	simm.s32 @!p0 $0x1BF5;
	p2 =	por !p2, p0  }
0x20: {  	[sflag:s8] =	ssyncset.s32 @!p0 $0xFFFFF086;
	s6 =	sadd.s32 @!p0 s3, s7;
	s7 =	simm.s32 @!p0 $0x108  }
0x21: {  	s3 =	sadd.s32 s3, s9;
	s6 =	sadd.s32 @!p0 $0x88, s6;
	s7 =	simm.s32 @p2 $0x1082  }
0x22: {  	[simem:s7], [sflag:s8] =	dma.local @!p0 [hbm:s6], $0xF7A  }
0x23: {  	s9 =	sor.u32 $0xD0000000, s2;
	s6 =	simm.s32 $0x108;
	_ =	swait.ge @!p0 [sflag:s8], $0x0  }
0x24: {  	s3 =	sadd.s32 $0x88, s3;
	s6 =	simm.s32 @!p1 $0x1082;
	[sflag:s4] =	ssyncset.s32 $0xFFFFF086  }
0x25: {  	[simem:s6], [sflag:s4] =	dma.local [hbm:s3], $0xF7A  }
0x26: {  	[smem:$0x3F97] =	sst s1;
	(tag) =	ssettag s2;
	_ =	strace s9  }
0x27: {  	s1 =	sld [smem:$0x3FA7]  }
0x28: {  	s2 =	sld [smem:$0x3FA8]  }
0x29: {  	s4 =	sld [smem:$0x3FAA]  }
0x2a: {  	p0 =	seq.s32 s5, $0x0;
	s5 =	sld [smem:$0x3FAB]  }
0x2b: {  	s6 =	sld [smem:$0x3FAC]  }
0x2c: {  	s7 =	sld [smem:$0x3FAD]  }
0x2d: {  	s3 =	simm.s32 $0x108;
	s8 =	sld [smem:$0x3FAE]  }
0x2e: {  	s3 =	simm.s32 @!p0 $0x1082;
	s9 =	sld [smem:$0x3FAF]  }
0x2f: {  	lr =	sadd.s32 s0, s3;
	s0 =	sld [smem:$0x3FA6]  }
0x30: {  	s3 =	sld [smem:$0x3FA9]  }
0x31: {  	[smem:$0x3FB2] =	sst s10  }
0x32: {  	s10 =	sld [smem:$0x3FB0];
	_ =	sdelay $0x3  }
0x33: {  	p0 =	seq.s32 s10, $0x1;
	s10 =	sld [smem:$0x3FB2];
	_ =	sdelay $0x3  }
0x34: {  	[smem:$0x3FB2] =	sst s10  }
0x35: {  	s10 =	sld [smem:$0x3FB1];
	_ =	sdelay $0x3  }
0x36: {  	p1 =	seq.s32 s10, $0x1;
	s10 =	sld [smem:$0x3FB2];
	_ =	sdelay $0x3  }
0x37: {  	[smem:$0x3FB2] =	sst s10  }
0x38: {  	s10 =	sld [smem:$0x3FB3]  }
0x39: {  	_ = 	snop;
	(pc) =	sbr.ind lr, $3  }
0x3a: {  	_ = 	snop  }
0x3b: {  	_ = 	snop  }
0x3c: {  	p2 =	seq.s32 s10, $0x1;
	s10 =	sld [smem:$0x3FB2]  }
0x3d: {  	_ =	shalt  }
0x3e: {  	_ =	shalt  }
0x3f: {  	_ =	shalt  }
0x40: {  	_ =	shalt  }
0x41: {  	_ =	shalt  }
0x42: {  	_ =	shalt  }
0x43: {  	_ =	shalt  }
0x44: {  	_ =	shalt  }
0x45: {  	_ =	shalt  }
0x46: {  	_ =	shalt  }
0x47: {  	_ =	shalt  }
0x48: {  	_ =	shalt  }
0x49: {  	_ =	shalt  }
0x4a: {  	_ =	shalt  }
0x4b: {  	_ =	shalt  }
0x4c: {  	_ =	shalt  }
0x4d: {  	_ =	shalt  }
0x4e: {  	_ =	shalt  }
0x4f: {  	_ =	shalt  }
0x50: {  	_ =	shalt  }
0x51: {  	_ =	shalt  }
0x52: {  	_ =	shalt  }
0x53: {  	_ =	shalt  }
0x54: {  	_ =	shalt  }
0x55: {  	_ =	shalt  }
0x56: {  	_ =	shalt  }
0x57: {  	_ =	shalt  }
0x58: {  	_ =	shalt  }
0x59: {  	_ =	shalt  }
0x5a: {  	_ =	shalt  }
0x5b: {  	_ =	shalt  }
0x5c: {  	_ =	shalt  }
0x5d: {  	_ =	shalt  }
0x5e: {  	_ =	shalt  }
0x5f: {  	_ =	shalt  }
0x60: {  	_ =	shalt  }
0x61: {  	_ =	shalt  }
0x62: {  	_ =	shalt  }
0x63: {  	_ =	shalt  }
0x64: {  	_ =	shalt  }
0x65: {  	_ =	shalt  }
0x66: {  	_ =	shalt  }
0x67: {  	_ =	shalt  }
0x68: {  	_ =	shalt  }
0x69: {  	_ =	shalt  }
0x6a: {  	_ =	shalt  }
0x6b: {  	_ =	shalt  }
0x6c: {  	_ =	shalt  }
0x6d: {  	_ =	shalt  }
0x6e: {  	_ =	shalt  }
0x6f: {  	_ =	shalt  }
0x70: {  	_ =	shalt  }
0x71: {  	_ =	shalt  }
0x72: {  	_ =	shalt  }
0x73: {  	_ =	shalt  }
0x74: {  	_ =	shalt  }
0x75: {  	_ =	shalt  }
0x76: {  	_ =	shalt  }
0x77: {  	_ =	shalt  }
0x78: {  	_ =	shalt  }
0x79: {  	_ =	shalt  }
0x7a: {  	_ =	shalt  }
0x7b: {  	_ =	shalt  }
0x7c: {  	_ =	shalt  }
0x7d: {  	_ =	shalt  }
0x7e: {  	_ =	shalt  }
0x7f: {  	_ =	shalt  }
0x80: {  	_ =	shalt  }
0x81: {  	_ =	shalt  }
0x82: {  	_ =	shalt  }
0x83: {  	_ =	shalt  }
0x84: {  	_ =	shalt  }
0x85: {  	_ =	shalt  }
0x86: {  	_ =	shalt  }
0x87: {  	_ =	shalt  }
.Lfunc_end0:
.L_simem_size_0:
called_computation.1_lowered:
.L_overlay_start_0:
0x88: {  	s2 =	sld [smem:$0x3FD9]  }
0x89: {  	s3 =	sld [smem:$0x3FFE];
	_ =	sdelay $0x1  }
0x8a: {  	s1 =	srdreg.scid  }
0x8b: {  	s0 =	sand.u32 $0x1, s1  }
0x8c: {  	s17 =	sshll.u32 s0, $0xA;
	s2 =	sadd.s32 s3, s2  }
0x8d: {  	s2 =	sadd.s32 s2, s17  }
0x8e: {  	[smem:$0x3FBE] =	sst s2  }
0x8f: {  	_ = 	snop  }
0x90: {  	s2 =	sld [smem:$0x3FD0];
	(tm) =	ssettm $0x1  }
0x91: {  	s18 =	sld [smem:$0x3FFB];
	_ =	sdelay $0x3  }
0x92: {  	_ =	strace s18  }
0x93: {  	s3 =	sld [smem:$0x3FFC];
	_ =	sdelay $0x3  }
0x94: {  	_ =	strace s3  }
0x95: {  	s3 =	sld [smem:$0x3FFD];
	_ =	sdelay $0x3  }
0x96: {  	_ =	strace s3  }
0x97: {  	_ =	strace $0x8FFFFFFF  }
0x98: {  	s19 =	sld [smem:$0x3FDB];
	_ =	sdelay $0x1  }
0x99: {  	s4 =	simm.s32 $_scs_section_size  }
0x9a: {  	s5 =	simm.s32 $_size__tile_overlayer_lowered;
	s6 =	simm.s32 $_tile_overlayer_lowered  }
0x9b: {  	s22 =	simm.s32 $0x1BFF;
	s21 =	sshll.u32 s6, $0x1;
	s3 =	sadd.s32 s4, s19  }
0x9c: {  	s7 =	simm.s32 $0x0;
	s20 =	sshll.u32 s5, $0x1;
	s5 =	sadd.s32 s21, s3  }
0x9d: {  	[timem:s7], [sflag:s22] =	dma.local [hbm:s5], s20  }
0x9e: {  	_ =	swait.ge [sflag:s22], s20  }
0x9f: {  	s4 =	ssub.s32 $0x0, s20;
	[sflag:s22] =	ssyncset.done $0x0  }
0xa0: {  	[sflag:s22] =	ssyncadd.s32 s4;
	_ =	sdelay $0x1  }
0xa1: {  	s23 =	simm.s32 $0x1B8B  }
0xa2: {  	_ =	swait.ge [sflag:s23], $0x1  }
0xa3: {  	[sflag:s23] =	ssyncset.done $0x0  }
0xa4: {  	s25 =	simm.s32 $0x1B8E;
	s24 =	sld [smem:$0x3FFE];
	[sflag:s23] =	ssyncadd.s32 $0xFFFFFFFF  }
0xa5: {  	s26 =	simm.s32 $execute0_lowered;
	[smem:$0x3FD2] =	sst s25  }
0xa6: {  	s5 =	sshll.u32 s26, $0x1;
	_ =	strace $0x80000049;
	[dreg:$0x1] =	wrdreg $0xFFFFFFFF  }
0xa7: {  	s28 =	simm.s32 $_size_execute0_lowered;
	s3 =	sadd.s32 s3, s5;
	[dreg:$0x0] =	wrdreg $0x0  }
0xa8: {  	s5 =	sshll.u32 s28, $0x1;
	[dreg:$0x2] =	wrdreg s3  }
0xa9: {  	[dreg:$0x3] =	wrdreg s5  }
0xaa: {  	[dreg:$0x4] =	wrdreg $0xC0  }
0xab: {  	_ =	task [dreg:s7], $0x5FFFF  }
0xac: {  	[dreg:$0x1] =	wrdreg $0xFFFFFFFF  }
0xad: {  	[dreg:$0x0] =	wrdreg $0x60  }
0xae: {  	[dreg:$0x2] =	wrdreg s2  }
0xaf: {  	[dreg:$0x3] =	wrdreg s24  }
0xb0: {  	[dreg:$0x4] =	wrdreg $0x90000  }
0xb1: {  	[dreg:$0x5] =	wrdreg $0x9  }
0xb2: {  	_ =	task.clear_ibuf [dreg:s7], $0x6FFFF;
	_ =	strace $0x90000049  }
0xb3: {  	s29 =	simm.s32 $0x9;
	_ =	strace $0x8000004B  }
0xb4: {  	_ =	swait.ge [sflag:s29], $0x1  }
0xb5: {  	[sflag:s29] =	ssyncadd.s32 $0xFFFFFFFF  }
0xb6: {  	_ =	strace $0x9000004B  }
0xb7: {  	_ =	sfence  }
0xb8: {  	s30 =	sld [smem:$0x0];
	_ =	sdelay $0x2  }
0xb9: {  	s31 =	sshll.u32 s1, $0xD;
	s1 =	sshrl.u32 s1, $0x2  }
0xba: {  	s3 =	sand.u32 $0x4000, s31;
	s1 =	sadd.s32 s1, s30  }
0xbb: {  	s0 =	sor.u32 s3, s0;
	s1 =	sshll.u32 s1, $0x11  }
0xbc: {  	s0 =	sor.u32 s1, s0  }
0xbd: {  	s0 =	sadd.s32 $0x8F2B, s0  }
0xbe: {  	[sflag:s0] =	ssyncadd.remote.s32 $0x1  }
0xbf: {  	_ =	sfence.sel $0xFFFF  }
0xc0: {  	[dreg:$0x0] =	wrdreg $0xFFFFFFFF;
	(pc) =	sbr.abs _section_cstart, $3  }
0xc1: {  	[dreg:$0x1] =	wrdreg $0xFFFFFFFF  }
0xc2: {  	_ =	task.clear_ibuf [dreg:s7], $0x2FFFF;
	_ =	strace $0x9FFFFFFF  }
0xc3: {  	(tm) =	ssettm $0x7FFFFFFF  }
tec
execute0_lowered:
.L_overlay_start_1:
0x0: {  	(tag) =	ssettag $0x1  }
0x1: {  	s2 =	srdreg.scid;
	s1 =	rddreg [dreg:$0x0]  }
0x2: {  	s0 =	stileid.u32;
	s6 =	rddreg [dreg:$0x1]  }
0x3: {  	s3 =	rddreg [dreg:$0x2];
	s4 =	simm.s32 $0x0;
	s14 =	simm.s32 $0x80  }
0x4: {  	s15 =	simm.s32 $0x5000;
	s16 =	simm.s32 $0x0;
	s8 =	smul.u32 $0x13C00, s0  }
0x5: {  	s5 =	sand.u32 $0x1, s2;
	s25 =	sshll.u32 s0, $0x1;
	s28 =	smul.u32 $0x4F000, s0  }
0x6: {  	[smem:$0x7FF] =	sst s4;
	s2 =	sor.u32 s5, s25;
	s9 =	smul.u32 $0x13C000, s5  }
0x7: {  	s31 =	sshll.u32 s0, $0x6;
	s5 =	ssub.s32 $0x2, s5;
	s7 =	smul.u32 $0x500, s2  }
0x8: {  	s2 =	rddreg [dreg:$0x3];
	_ =	strace $0x8000004A;
	s26 =	sshrl.u32 s8, $0x3  }
0x9: {  	s29 =	sshrl.u32 s5, $0x1;
	s30 =	sshrl.u32 s28, $0x2;
	s8 =	sadd.s32 s8, s9  }
0xa: {  	s12 =	ssub.s32 s5, s29;
	s13 =	sadd.s32 s30, s3;
	s8 =	sshrl.u32 s8, $0x3  }
0xb: {  	s10 =	sadd.s32 s7, s6;
	s7 =	sadd.s32 s26, s6;
	s11 =	sadd.s32 s8, s6  }
0xc: {  	s5 =	sadd.s32 $0xCC00, s7;
	s6 =	sor.u32 $0x1C01, s31;
	s7 =	sadd.s32 $0x83400, s10  }
0xd: {  	s8 =	sadd.s32 $0x2C00, s10;
	s10 =	smax.u32 s12, $0x1;
	s12 =	simm.s32 $0x1  }
0xe: {  	s9 =	sadd.s32 $0x8D400, s11;
	s11 =	sshrl.u32 s13, $0x3;
	s13 =	simm.s32 $0x2800  }
.LBB2_1:
0xf: {  	[spmem:s11], [sflag:s6] =	dma.local [hbm:s5], $0x2780  }
0x10: {  	_ =	swait.ge [sflag:s12], $0x2780  }
0x11: {  	[sflag:s12] =	ssyncset.done $0x0  }
0x12: {  	[sflag:s12] =	ssyncadd.s32 $0xFFFFD880  }
0x13: {  	[tilespmem:s4], [sflag:$0x1] =	stream.linear.gather [hbm4b:s7+s4], $0x2780, $0x38;
	[tilespmem:$0x1CC00] =	vst v63  }
0x14: {  	_ =	swait.ge [sflag:s12], $0x2780  }
0x15: {  	[sflag:s12] =	ssyncset.done $0x0  }
0x16: {  	[sflag:s12] =	ssyncadd.s32 $0xFFFFD880  }
0x17: {  	[tilespmem:s13], [sflag:$0x1] =	stream.linear.gather [hbm4b:s8+s4], $0x2780, $0x38;
	[tilespmem:$0x1CC00] =	vst v63  }
0x18: {  	_ =	swait.ge [sflag:s12], $0x2780  }
0x19: {  	[sflag:s12] =	ssyncset.done $0x0  }
0x1a: {  	[sflag:s12] =	ssyncadd.s32 $0xFFFFD880  }
0x1b: {  	s17 =	simm.s32 $0x0;
	[bflag:$0x0] =	sbarrier.arrive $0xFFFF  }
0x1c: {  	[tilespmem:s15], [sflag:$0x1] =	stream.indirect.gather [hbm4b:s1+s14], $0x80, s17, s14, $0xb8;
	[tilespmem:$0x1CC00] =	vst v63  }
0x1d: {  	_ =	swait.ge [sflag:s12], $0x4000  }
0x1e: {  	[sflag:s12] =	ssyncset.done $0x0  }
0x1f: {  	s31 =	simm.s32 $0x2800;
	[sflag:s12] =	ssyncadd.s32 $0xFFFFC000  }
0x20: {  	[spmem:s3] =	stream.indirect.scatter.add.f32 [tilespmem:s15], [sflag:$0x1], $0x80, s31, s14, $0xb8;
	[tilespmem:$0x1CC00] =	vst v63  }
0x21: {  	_ =	swait.ge [sflag:s12], $0x4000  }
0x22: {  	s18 =	simm.s32 $0x400;
	s17 =	simm.s32 $0x200;
	[sflag:s12] =	ssyncset.done $0x0  }
.LBB2_2:
0x23: {  	s19 =	sshra.s32 s17, $0x2  }
0x24: {  	[sflag:s12] =	ssyncadd.s32 $0xFFFFC000;
	s17 =	smov.u32 s18;
	s20 =	sadd.s32 $0x200, s18  }
0x25: {  	[tilespmem:s15], [sflag:$0x1] =	stream.indirect.gather [hbm4b:s1+s14], $0x80, s19, s14, $0xb8;
	[tilespmem:$0x1CC00] =	vst v63  }
0x26: {  	p0 =	sne.s32 s18, $0x9C00;
	_ =	swait.ge [sflag:s12], $0x4000  }
.Ltmp0:
0x27: {  	[sflag:s12] =	ssyncset.done $0x0;
	(pc) =	sbr.rel @p0 .LBB2_2-.Ltmp0, $4  }
0x28: {  	s18 =	sadd.s32 $0x2800, s19;
	[sflag:s12] =	ssyncadd.s32 $0xFFFFC000  }
0x29: {  	[spmem:s3] =	stream.indirect.scatter.add.f32 [tilespmem:s15], [sflag:$0x1], $0x80, s18, s14, $0xb8;
	[tilespmem:$0x1CC00] =	vst v63  }
0x2a: {  	_ =	swait.ge [sflag:s12], $0x4000  }
0x2b: {  	s18 =	smov.u32 s20;
	[sflag:s12] =	ssyncset.done $0x0  }
0x2c: {  	s17 =	sshra.s32 s17, $0x2;
	[sflag:s12] =	ssyncadd.s32 $0xFFFFC000  }
0x2d: {  	[tilespmem:s15], [sflag:$0x1] =	stream.indirect.gather [hbm4b:s1+s14], $0x80, s17, s14, $0xb8;
	[tilespmem:$0x1CC00] =	vst v63  }
0x2e: {  	_ =	swait.ge [sflag:s12], $0x4000  }
0x2f: {  	[sflag:s12] =	ssyncset.done $0x0  }
0x30: {  	s17 =	sadd.s32 $0x2800, s17;
	[sflag:s12] =	ssyncadd.s32 $0xFFFFC000  }
0x31: {  	[spmem:s3] =	stream.indirect.scatter.add.f32 [tilespmem:s15], [sflag:$0x1], $0x80, s17, s14, $0xb8;
	[tilespmem:$0x1CC00] =	vst v63  }
0x32: {  	_ =	swait.ge [sflag:s12], $0x4000  }
0x33: {  	s16 =	sadd.s32 $0x1, s16;
	[sflag:s12] =	ssyncset.done $0x0  }
0x34: {  	p0 =	sne.s32 s16, s10;
	[sflag:s12] =	ssyncadd.s32 $0xFFFFC000  }
.Ltmp1:
0x35: {  	[bflag:$0x0] =	sbarrier.arrive $0xFFFF;
	(pc) =	sbr.rel @p0 .LBB2_1-.Ltmp1, $4  }
0x36: {  	[hbm:s9], [sflag:s6] =	dma.local [spmem:s11], $0x2780  }
0x37: {  	_ =	swait.ge [sflag:s12], $0x2780  }
0x38: {  	[sflag:s12] =	ssyncset.done $0x0  }
0x39: {  	[sflag:s12] =	ssyncadd.s32 $0xFFFFD880  }
0x3a: {  	_ =	sfence.sel $0x180000  }
0x3b: {  	[bflag:$0x0] =	sbarrier.arrive $0xFFFF  }
0x3c: {  	p0 =	sne.s32 s0, $0x0;
	_ =	strace $0x9000004A  }
0x3d: {  	s0 =	sadd.s32 @!p0 $0x100000, s2;
	[bflag:$0x2] =	sbarrier.arrive $0xFFFF  }
0x3e: {  	[sflag:s0] =	ssyncadd.tile.s32 @!p0 $0x1;
	_ =	shalt  }
.Lfunc_end2:
_tile_overlayer_lowered:
.L_overlay_start_2:
0x3f: {  	(tag) =	ssettag $0x2  }
0x40: {  	s0 =	rddreg [dreg:$0x0];
	s2 =	stileid.u32  }
0x41: {  	s1 =	rddreg [dreg:$0x1];
	p0 =	sne.s32 s2, $0x0  }
0x42: {  	s3 =	rddreg [dreg:$0x2];
	[bflag:$0x3] =	sbarrier.arrive $0xFFFF;
	s2 =	simm.s32 @!p0 $0x1C01  }
0x43: {  	[timem:s3], [sflag:s2] =	dma.local @!p0 [hbm:s0], s1  }
0x44: {  	s0 =	simm.s32 @!p0 $0x1  }
0x45: {  	_ =	swait.ge @!p0 [sflag:s0], s1  }
0x46: {  	s1 =	ssub.s32 @!p0 $0x0, s1;
	[sflag:s0] =	ssyncset.done @!p0 $0x0  }
0x47: {  	[sflag:s0] =	ssyncadd.s32 @!p0 s1  }
0x48: {  	[bflag:$0x3] =	sbarrier.arrive $0xFFFF  }
0x49: {  	_ =	shalt  }

// kernel: kernel.16.cloned.1.call-start
scs
__scs_entry_jumppad:
0x0: {  	(pc) =	sbr.rel $0x88, $3  }
0x1: {  	(tag) =	ssettag $0x0;
	lr =	simm.s32 $0x1  }
0x2: {  	[smem:$0x3F97] =	sst lr;
	_ =	strace $0xD0000000  }
0x3: {  	_ = 	snop  }
0x4: {  	_ = 	snop  }
0x5: {  	_ = 	snop  }
0x6: {  	_ = 	snop  }
0x7: {  	_ = 	snop  }
__scs_overlays_trampoline_lowered:
0x8: {  	[smem:$0x3FA6] =	sst s0  }
0x9: {  	[smem:$0x3FA7] =	sst s1  }
0xa: {  	[smem:$0x3FA8] =	sst s2  }
0xb: {  	[smem:$0x3FA9] =	sst s3  }
0xc: {  	[smem:$0x3FAA] =	sst s4  }
0xd: {  	[smem:$0x3FAB] =	sst s5  }
0xe: {  	[smem:$0x3FAC] =	sst s6  }
0xf: {  	[smem:$0x3FAD] =	sst s7  }
0x10: {  	[smem:$0x3FAE] =	sst s8  }
0x11: {  	[smem:$0x3FAF] =	sst s9;
	s0 =	simm.s32 @!p0 $0x0  }
0x12: {  	s1 =	sld [smem:$0x3F95];
	s0 =	simm.s32 @p0 $0x1  }
0x13: {  	[smem:$0x3FB0] =	sst s0;
	s0 =	simm.s32 @!p1 $0x0  }
0x14: {  	s2 =	sld [smem:$0x3F94];
	s0 =	simm.s32 @p1 $0x1  }
0x15: {  	[smem:$0x3FB1] =	sst s0;
	s0 =	simm.s32 @!p2 $0x0  }
0x16: {  	s3 =	sld [smem:$0x3FDB];
	s0 =	simm.s32 @p2 $0x1  }
0x17: {  	s4 =	simm.s32 $0x1BF5;
	[smem:$0x3FB3] =	sst s0  }
0x18: {  	s0 =	sld [smem:$0x3F96];
	_ =	swait.ge [sflag:s4], $0x0  }
0x19: {  	s7 =	sld [smem:$0x3F97]  }
0x1a: {  	s8 =	sadd.s32 $0xFFFFE003, lr  }
0x1b: {  	s9 =	sadd.s32 $0xFFFFFEF7, lr;
	s5 =	simm.s32 $0xFFFFFFFF;
	p2 =	slt.u32 s8, $0xFFFFF086  }
0x1c: {  	p1 =	slt.u32 s9, $0xF7A;
	s5 =	simm.s32 @!p2 $0x0  }
0x1d: {  	s5 =	simm.s32 @p1 $0x1;
	p0 =	seq.s32 s7, s2  }
0x1e: {  	s7 =	smul.u32 @!p0 $0xF7A, s2;
	p2 =	seq.s32 @!p0 s5, $0x0  }
0x1f: {  	s9 =	smul.u32 $0xF7A, s1;
	s8 =	simm.s32 @!p0 $0x1BF5;
	p2 =	por !p2, p0  }
0x20: {  	[sflag:s8] =	ssyncset.s32 @!p0 $0xFFFFF086;
	s6 =	sadd.s32 @!p0 s3, s7;
	s7 =	simm.s32 @!p0 $0x108  }
0x21: {  	s3 =	sadd.s32 s3, s9;
	s6 =	sadd.s32 @!p0 $0x88, s6;
	s7 =	simm.s32 @p2 $0x1082  }
0x22: {  	[simem:s7], [sflag:s8] =	dma.local @!p0 [hbm:s6], $0xF7A  }
0x23: {  	s9 =	sor.u32 $0xD0000000, s2;
	s6 =	simm.s32 $0x108;
	_ =	swait.ge @!p0 [sflag:s8], $0x0  }
0x24: {  	s3 =	sadd.s32 $0x88, s3;
	s6 =	simm.s32 @!p1 $0x1082;
	[sflag:s4] =	ssyncset.s32 $0xFFFFF086  }
0x25: {  	[simem:s6], [sflag:s4] =	dma.local [hbm:s3], $0xF7A  }
0x26: {  	[smem:$0x3F97] =	sst s1;
	(tag) =	ssettag s2;
	_ =	strace s9  }
0x27: {  	s1 =	sld [smem:$0x3FA7]  }
0x28: {  	s2 =	sld [smem:$0x3FA8]  }
0x29: {  	s4 =	sld [smem:$0x3FAA]  }
0x2a: {  	p0 =	seq.s32 s5, $0x0;
	s5 =	sld [smem:$0x3FAB]  }
0x2b: {  	s6 =	sld [smem:$0x3FAC]  }
0x2c: {  	s7 =	sld [smem:$0x3FAD]  }
0x2d: {  	s3 =	simm.s32 $0x108;
	s8 =	sld [smem:$0x3FAE]  }
0x2e: {  	s3 =	simm.s32 @!p0 $0x1082;
	s9 =	sld [smem:$0x3FAF]  }
0x2f: {  	lr =	sadd.s32 s0, s3;
	s0 =	sld [smem:$0x3FA6]  }
0x30: {  	s3 =	sld [smem:$0x3FA9]  }
0x31: {  	[smem:$0x3FB2] =	sst s10  }
0x32: {  	s10 =	sld [smem:$0x3FB0];
	_ =	sdelay $0x3  }
0x33: {  	p0 =	seq.s32 s10, $0x1;
	s10 =	sld [smem:$0x3FB2];
	_ =	sdelay $0x3  }
0x34: {  	[smem:$0x3FB2] =	sst s10  }
0x35: {  	s10 =	sld [smem:$0x3FB1];
	_ =	sdelay $0x3  }
0x36: {  	p1 =	seq.s32 s10, $0x1;
	s10 =	sld [smem:$0x3FB2];
	_ =	sdelay $0x3  }
0x37: {  	[smem:$0x3FB2] =	sst s10  }
0x38: {  	s10 =	sld [smem:$0x3FB3]  }
0x39: {  	_ = 	snop;
	(pc) =	sbr.ind lr, $3  }
0x3a: {  	_ = 	snop  }
0x3b: {  	_ = 	snop  }
0x3c: {  	p2 =	seq.s32 s10, $0x1;
	s10 =	sld [smem:$0x3FB2]  }
0x3d: {  	_ =	shalt  }
0x3e: {  	_ =	shalt  }
0x3f: {  	_ =	shalt  }
0x40: {  	_ =	shalt  }
0x41: {  	_ =	shalt  }
0x42: {  	_ =	shalt  }
0x43: {  	_ =	shalt  }
0x44: {  	_ =	shalt  }
0x45: {  	_ =	shalt  }
0x46: {  	_ =	shalt  }
0x47: {  	_ =	shalt  }
0x48: {  	_ =	shalt  }
0x49: {  	_ =	shalt  }
0x4a: {  	_ =	shalt  }
0x4b: {  	_ =	shalt  }
0x4c: {  	_ =	shalt  }
0x4d: {  	_ =	shalt  }
0x4e: {  	_ =	shalt  }
0x4f: {  	_ =	shalt  }
0x50: {  	_ =	shalt  }
0x51: {  	_ =	shalt  }
0x52: {  	_ =	shalt  }
0x53: {  	_ =	shalt  }
0x54: {  	_ =	shalt  }
0x55: {  	_ =	shalt  }
0x56: {  	_ =	shalt  }
0x57: {  	_ =	shalt  }
0x58: {  	_ =	shalt  }
0x59: {  	_ =	shalt  }
0x5a: {  	_ =	shalt  }
0x5b: {  	_ =	shalt  }
0x5c: {  	_ =	shalt  }
0x5d: {  	_ =	shalt  }
0x5e: {  	_ =	shalt  }
0x5f: {  	_ =	shalt  }
0x60: {  	_ =	shalt  }
0x61: {  	_ =	shalt  }
0x62: {  	_ =	shalt  }
0x63: {  	_ =	shalt  }
0x64: {  	_ =	shalt  }
0x65: {  	_ =	shalt  }
0x66: {  	_ =	shalt  }
0x67: {  	_ =	shalt  }
0x68: {  	_ =	shalt  }
0x69: {  	_ =	shalt  }
0x6a: {  	_ =	shalt  }
0x6b: {  	_ =	shalt  }
0x6c: {  	_ =	shalt  }
0x6d: {  	_ =	shalt  }
0x6e: {  	_ =	shalt  }
0x6f: {  	_ =	shalt  }
0x70: {  	_ =	shalt  }
0x71: {  	_ =	shalt  }
0x72: {  	_ =	shalt  }
0x73: {  	_ =	shalt  }
0x74: {  	_ =	shalt  }
0x75: {  	_ =	shalt  }
0x76: {  	_ =	shalt  }
0x77: {  	_ =	shalt  }
0x78: {  	_ =	shalt  }
0x79: {  	_ =	shalt  }
0x7a: {  	_ =	shalt  }
0x7b: {  	_ =	shalt  }
0x7c: {  	_ =	shalt  }
0x7d: {  	_ =	shalt  }
0x7e: {  	_ =	shalt  }
0x7f: {  	_ =	shalt  }
0x80: {  	_ =	shalt  }
0x81: {  	_ =	shalt  }
0x82: {  	_ =	shalt  }
0x83: {  	_ =	shalt  }
0x84: {  	_ =	shalt  }
0x85: {  	_ =	shalt  }
0x86: {  	_ =	shalt  }
0x87: {  	_ =	shalt  }
.Lfunc_end0:
.L_simem_size_0:
called_computation.2_lowered:
.L_overlay_start_0:
0x88: {  	s2 =	sld [smem:$0x3FD9]  }
0x89: {  	s3 =	sld [smem:$0x3FFE];
	_ =	sdelay $0x1  }
0x8a: {  	s1 =	srdreg.scid  }
0x8b: {  	s0 =	sand.u32 $0x1, s1  }
0x8c: {  	s17 =	sshll.u32 s0, $0xA;
	s2 =	sadd.s32 s3, s2  }
0x8d: {  	s2 =	sadd.s32 s2, s17  }
0x8e: {  	[smem:$0x3FBE] =	sst s2  }
0x8f: {  	_ = 	snop  }
0x90: {  	s2 =	sld [smem:$0x3FD0];
	(tm) =	ssettm $0x1  }
0x91: {  	s18 =	sld [smem:$0x3FFB];
	_ =	sdelay $0x3  }
0x92: {  	_ =	strace s18  }
0x93: {  	s3 =	sld [smem:$0x3FFC];
	_ =	sdelay $0x3  }
0x94: {  	_ =	strace s3  }
0x95: {  	s3 =	sld [smem:$0x3FFD];
	_ =	sdelay $0x3  }
0x96: {  	_ =	strace s3  }
0x97: {  	_ =	strace $0x8FFFFFFF  }
0x98: {  	s19 =	sld [smem:$0x3FDB];
	_ =	sdelay $0x1  }
0x99: {  	s4 =	simm.s32 $_scs_section_size  }
0x9a: {  	s5 =	simm.s32 $_size__tile_overlayer_lowered;
	s6 =	simm.s32 $_tile_overlayer_lowered  }
0x9b: {  	s22 =	simm.s32 $0x1BFF;
	s21 =	sshll.u32 s6, $0x1;
	s3 =	sadd.s32 s4, s19  }
0x9c: {  	s7 =	simm.s32 $0x0;
	s20 =	sshll.u32 s5, $0x1;
	s5 =	sadd.s32 s21, s3  }
0x9d: {  	[timem:s7], [sflag:s22] =	dma.local [hbm:s5], s20  }
0x9e: {  	_ =	swait.ge [sflag:s22], s20  }
0x9f: {  	s4 =	ssub.s32 $0x0, s20;
	[sflag:s22] =	ssyncset.done $0x0  }
0xa0: {  	[sflag:s22] =	ssyncadd.s32 s4;
	_ =	sdelay $0x1  }
0xa1: {  	s23 =	simm.s32 $0x1B8B  }
0xa2: {  	_ =	swait.ge [sflag:s23], $0x1  }
0xa3: {  	[sflag:s23] =	ssyncset.done $0x0  }
0xa4: {  	s25 =	simm.s32 $0x1B8E;
	s24 =	sld [smem:$0x3FFE];
	[sflag:s23] =	ssyncadd.s32 $0xFFFFFFFF  }
0xa5: {  	s26 =	simm.s32 $execute0_lowered;
	[smem:$0x3FD2] =	sst s25  }
0xa6: {  	s5 =	sshll.u32 s26, $0x1;
	_ =	strace $0x8000004C;
	[dreg:$0x1] =	wrdreg $0xFFFFFFFF  }
0xa7: {  	s28 =	simm.s32 $_size_execute0_lowered;
	s3 =	sadd.s32 s3, s5;
	[dreg:$0x0] =	wrdreg $0x0  }
0xa8: {  	s5 =	sshll.u32 s28, $0x1;
	[dreg:$0x2] =	wrdreg s3  }
0xa9: {  	[dreg:$0x3] =	wrdreg s5  }
0xaa: {  	[dreg:$0x4] =	wrdreg $0xC0  }
0xab: {  	_ =	task [dreg:s7], $0x5FFFF  }
0xac: {  	[dreg:$0x1] =	wrdreg $0xFFFFFFFF  }
0xad: {  	[dreg:$0x0] =	wrdreg $0x60  }
0xae: {  	[dreg:$0x2] =	wrdreg s2  }
0xaf: {  	[dreg:$0x3] =	wrdreg s24  }
0xb0: {  	[dreg:$0x4] =	wrdreg $0x90000  }
0xb1: {  	[dreg:$0x5] =	wrdreg $0x9  }
0xb2: {  	_ =	task.clear_ibuf [dreg:s7], $0x6FFFF;
	_ =	strace $0x9000004C  }
0xb3: {  	s29 =	simm.s32 $0x9;
	_ =	strace $0x8000004E  }
0xb4: {  	_ =	swait.ge [sflag:s29], $0x1  }
0xb5: {  	[sflag:s29] =	ssyncadd.s32 $0xFFFFFFFF  }
0xb6: {  	_ =	strace $0x9000004E  }
0xb7: {  	_ =	sfence  }
0xb8: {  	s30 =	sld [smem:$0x0];
	_ =	sdelay $0x2  }
0xb9: {  	s31 =	sshll.u32 s1, $0xD;
	s1 =	sshrl.u32 s1, $0x2  }
0xba: {  	s3 =	sand.u32 $0x4000, s31;
	s1 =	sadd.s32 s1, s30  }
0xbb: {  	s0 =	sor.u32 s3, s0;
	s1 =	sshll.u32 s1, $0x11  }
0xbc: {  	s0 =	sor.u32 s1, s0  }
0xbd: {  	s0 =	sadd.s32 $0x8F2B, s0  }
0xbe: {  	[sflag:s0] =	ssyncadd.remote.s32 $0x1  }
0xbf: {  	_ =	sfence.sel $0xFFFF  }
0xc0: {  	[dreg:$0x0] =	wrdreg $0xFFFFFFFF;
	(pc) =	sbr.abs _section_cstart, $3  }
0xc1: {  	[dreg:$0x1] =	wrdreg $0xFFFFFFFF  }
0xc2: {  	_ =	task.clear_ibuf [dreg:s7], $0x2FFFF;
	_ =	strace $0x9FFFFFFF  }
0xc3: {  	(tm) =	ssettm $0x7FFFFFFF  }
tec
execute0_lowered:
.L_overlay_start_1:
0x0: {  	(tag) =	ssettag $0x1  }
0x1: {  	s2 =	srdreg.scid;
	s1 =	rddreg [dreg:$0x0]  }
0x2: {  	s0 =	stileid.u32;
	s6 =	rddreg [dreg:$0x1]  }
0x3: {  	s3 =	rddreg [dreg:$0x2];
	s4 =	simm.s32 $0x0;
	s14 =	simm.s32 $0x80  }
0x4: {  	s15 =	simm.s32 $0x5000;
	s16 =	simm.s32 $0x0;
	s8 =	smul.u32 $0x13C00, s0  }
0x5: {  	s5 =	sand.u32 $0x1, s2;
	s25 =	sshll.u32 s0, $0x1;
	s28 =	smul.u32 $0x4F000, s0  }
0x6: {  	[smem:$0x7FF] =	sst s4;
	s2 =	sor.u32 s5, s25;
	s9 =	smul.u32 $0x13C000, s5  }
0x7: {  	s31 =	sshll.u32 s0, $0x6;
	s5 =	ssub.s32 $0x2, s5;
	s7 =	smul.u32 $0x500, s2  }
0x8: {  	s2 =	rddreg [dreg:$0x3];
	_ =	strace $0x8000004D;
	s26 =	sshrl.u32 s8, $0x3  }
0x9: {  	s29 =	sshrl.u32 s5, $0x1;
	s30 =	sshrl.u32 s28, $0x2;
	s8 =	sadd.s32 s8, s9  }
0xa: {  	s12 =	ssub.s32 s5, s29;
	s13 =	sadd.s32 s30, s3;
	s8 =	sshrl.u32 s8, $0x3  }
0xb: {  	s10 =	sadd.s32 s7, s6;
	s7 =	sadd.s32 s26, s6;
	s11 =	sadd.s32 s8, s6  }
0xc: {  	s5 =	sadd.s32 $0xCC00, s7;
	s6 =	sor.u32 $0x1C01, s31;
	s7 =	sadd.s32 $0x83400, s10  }
0xd: {  	s8 =	sadd.s32 $0x2C00, s10;
	s10 =	smax.u32 s12, $0x1;
	s12 =	simm.s32 $0x1  }
0xe: {  	s9 =	sadd.s32 $0x8D400, s11;
	s11 =	sshrl.u32 s13, $0x3;
	s13 =	simm.s32 $0x2800  }
.LBB2_1:
0xf: {  	[spmem:s11], [sflag:s6] =	dma.local [hbm:s5], $0x2780  }
0x10: {  	_ =	swait.ge [sflag:s12], $0x2780  }
0x11: {  	[sflag:s12] =	ssyncset.done $0x0  }
0x12: {  	[sflag:s12] =	ssyncadd.s32 $0xFFFFD880  }
0x13: {  	[tilespmem:s4], [sflag:$0x1] =	stream.linear.gather [hbm4b:s7+s4], $0x2780, $0x38;
	[tilespmem:$0x1CC00] =	vst v63  }
0x14: {  	_ =	swait.ge [sflag:s12], $0x2780  }
0x15: {  	[sflag:s12] =	ssyncset.done $0x0  }
0x16: {  	[sflag:s12] =	ssyncadd.s32 $0xFFFFD880  }
0x17: {  	[tilespmem:s13], [sflag:$0x1] =	stream.linear.gather [hbm4b:s8+s4], $0x2780, $0x38;
	[tilespmem:$0x1CC00] =	vst v63  }
0x18: {  	_ =	swait.ge [sflag:s12], $0x2780  }
0x19: {  	[sflag:s12] =	ssyncset.done $0x0  }
0x1a: {  	[sflag:s12] =	ssyncadd.s32 $0xFFFFD880  }
0x1b: {  	s17 =	simm.s32 $0x0;
	[bflag:$0x0] =	sbarrier.arrive $0xFFFF  }
0x1c: {  	[tilespmem:s15], [sflag:$0x1] =	stream.indirect.gather [hbm4b:s1+s14], $0x80, s17, s14, $0xb8;
	[tilespmem:$0x1CC00] =	vst v63  }
0x1d: {  	_ =	swait.ge [sflag:s12], $0x4000  }
0x1e: {  	[sflag:s12] =	ssyncset.done $0x0  }
0x1f: {  	s31 =	simm.s32 $0x2800;
	[sflag:s12] =	ssyncadd.s32 $0xFFFFC000  }
0x20: {  	[spmem:s3] =	stream.indirect.scatter.add.f32 [tilespmem:s15], [sflag:$0x1], $0x80, s31, s14, $0xb8;
	[tilespmem:$0x1CC00] =	vst v63  }
0x21: {  	_ =	swait.ge [sflag:s12], $0x4000  }
0x22: {  	s18 =	simm.s32 $0x400;
	s17 =	simm.s32 $0x200;
	[sflag:s12] =	ssyncset.done $0x0  }
.LBB2_2:
0x23: {  	s19 =	sshra.s32 s17, $0x2  }
0x24: {  	[sflag:s12] =	ssyncadd.s32 $0xFFFFC000;
	s17 =	smov.u32 s18;
	s20 =	sadd.s32 $0x200, s18  }
0x25: {  	[tilespmem:s15], [sflag:$0x1] =	stream.indirect.gather [hbm4b:s1+s14], $0x80, s19, s14, $0xb8;
	[tilespmem:$0x1CC00] =	vst v63  }
0x26: {  	p0 =	sne.s32 s18, $0x9C00;
	_ =	swait.ge [sflag:s12], $0x4000  }
.Ltmp0:
0x27: {  	[sflag:s12] =	ssyncset.done $0x0;
	(pc) =	sbr.rel @p0 .LBB2_2-.Ltmp0, $4  }
0x28: {  	s18 =	sadd.s32 $0x2800, s19;
	[sflag:s12] =	ssyncadd.s32 $0xFFFFC000  }
0x29: {  	[spmem:s3] =	stream.indirect.scatter.add.f32 [tilespmem:s15], [sflag:$0x1], $0x80, s18, s14, $0xb8;
	[tilespmem:$0x1CC00] =	vst v63  }
0x2a: {  	_ =	swait.ge [sflag:s12], $0x4000  }
0x2b: {  	s18 =	smov.u32 s20;
	[sflag:s12] =	ssyncset.done $0x0  }
0x2c: {  	s17 =	sshra.s32 s17, $0x2;
	[sflag:s12] =	ssyncadd.s32 $0xFFFFC000  }
0x2d: {  	[tilespmem:s15], [sflag:$0x1] =	stream.indirect.gather [hbm4b:s1+s14], $0x80, s17, s14, $0xb8;
	[tilespmem:$0x1CC00] =	vst v63  }
0x2e: {  	_ =	swait.ge [sflag:s12], $0x4000  }
0x2f: {  	[sflag:s12] =	ssyncset.done $0x0  }
0x30: {  	s17 =	sadd.s32 $0x2800, s17;
	[sflag:s12] =	ssyncadd.s32 $0xFFFFC000  }
0x31: {  	[spmem:s3] =	stream.indirect.scatter.add.f32 [tilespmem:s15], [sflag:$0x1], $0x80, s17, s14, $0xb8;
	[tilespmem:$0x1CC00] =	vst v63  }
0x32: {  	_ =	swait.ge [sflag:s12], $0x4000  }
0x33: {  	s16 =	sadd.s32 $0x1, s16;
	[sflag:s12] =	ssyncset.done $0x0  }
0x34: {  	p0 =	sne.s32 s16, s10;
	[sflag:s12] =	ssyncadd.s32 $0xFFFFC000  }
.Ltmp1:
0x35: {  	[bflag:$0x0] =	sbarrier.arrive $0xFFFF;
	(pc) =	sbr.rel @p0 .LBB2_1-.Ltmp1, $4  }
0x36: {  	[hbm:s9], [sflag:s6] =	dma.local [spmem:s11], $0x2780  }
0x37: {  	_ =	swait.ge [sflag:s12], $0x2780  }
0x38: {  	[sflag:s12] =	ssyncset.done $0x0  }
0x39: {  	[sflag:s12] =	ssyncadd.s32 $0xFFFFD880  }
0x3a: {  	_ =	sfence.sel $0x180000  }
0x3b: {  	[bflag:$0x0] =	sbarrier.arrive $0xFFFF  }
0x3c: {  	p0 =	sne.s32 s0, $0x0;
	_ =	strace $0x9000004D  }
0x3d: {  	s0 =	sadd.s32 @!p0 $0x100000, s2;
	[bflag:$0x2] =	sbarrier.arrive $0xFFFF  }
0x3e: {  	[sflag:s0] =	ssyncadd.tile.s32 @!p0 $0x1;
	_ =	shalt  }
.Lfunc_end2:
_tile_overlayer_lowered:
.L_overlay_start_2:
0x3f: {  	(tag) =	ssettag $0x2  }
0x40: {  	s0 =	rddreg [dreg:$0x0];
	s2 =	stileid.u32  }
0x41: {  	s1 =	rddreg [dreg:$0x1];
	p0 =	sne.s32 s2, $0x0  }
0x42: {  	s3 =	rddreg [dreg:$0x2];
	[bflag:$0x3] =	sbarrier.arrive $0xFFFF;
	s2 =	simm.s32 @!p0 $0x1C01  }
0x43: {  	[timem:s3], [sflag:s2] =	dma.local @!p0 [hbm:s0], s1  }
0x44: {  	s0 =	simm.s32 @!p0 $0x1  }
0x45: {  	_ =	swait.ge @!p0 [sflag:s0], s1  }
0x46: {  	s1 =	ssub.s32 @!p0 $0x0, s1;
	[sflag:s0] =	ssyncset.done @!p0 $0x0  }
0x47: {  	[sflag:s0] =	ssyncadd.s32 @!p0 s1  }
0x48: {  	[bflag:$0x3] =	sbarrier.arrive $0xFFFF  }
0x49: {  	_ =	shalt  }

</sc_bundles>
